<compile_context>
chip_gen: v7x
topology: tpu7x:2x2x1
jax: 0.10.2.dev20260603
libtpu: 0.0.44.dev20260713+nightly
codegen_flags: <defaults>
</compile_context>

<pallas_src>
import jax
import jax.numpy as jnp
from jax import lax
from jax.experimental import pallas as pl
from jax.experimental.pallas import tpu as pltpu
from jax.experimental.pallas import tpu_sc as plsc

N = 10000
E = 320000
G = 256

NC = 2
NS = 16
NW = NC * NS
EPW = E // NW
CH = 100
NJ = EPW // CH
NP = 10112
RPS = NP // NS
DEGW = 128


def _sc_mesh():
    return plsc.VectorSubcoreMesh(core_axis_name="c", subcore_axis_name="s")


def _deg_body(dst_hbm, ones_hbm, zeros_hbm, out_hbm, idx_v, val_v, acc_sh, sem):
    c = lax.axis_index("c")
    s = lax.axis_index("s")
    wid = s * NC + c
    pltpu.sync_copy(zeros_hbm.at[pl.ds(s * RPS, RPS)], acc_sh.at[pl.ds(s * RPS, RPS)])
    pltpu.sync_copy(ones_hbm, val_v)
    pltpu.sync_copy(dst_hbm.at[wid], idx_v)
    plsc.subcore_barrier()

    def body(j, carry):
        pltpu.sync_copy(val_v, acc_sh.at[idx_v.at[j]], add=True)
        return carry

    lax.fori_loop(0, NJ, body, 0)
    plsc.subcore_barrier()
    pltpu.sync_copy(acc_sh.at[pl.ds(s * RPS, RPS)],
                    out_hbm.at[c].at[pl.ds(s * RPS, RPS)])


_deg_call = pl.kernel(
    _deg_body,
    mesh=_sc_mesh(),
    out_type=jax.ShapeDtypeStruct((NC, NP, DEGW), jnp.float32),
    scratch_types=[
        pltpu.VMEM((NJ, CH), jnp.int32),
        pltpu.VMEM((CH, DEGW), jnp.float32),
        pltpu.VMEM_SHARED((NP, DEGW), jnp.float32),
        pltpu.SemaphoreType.DMA,
    ],
)


def _scatter_body(y_hbm, src_hbm, dst_hbm, zeros_hbm, out_hbm,
                  sidx_v, didx_v, rows_v, acc_sh, sem):
    c = lax.axis_index("c")
    s = lax.axis_index("s")
    wid = s * NC + c
    pltpu.sync_copy(zeros_hbm.at[pl.ds(s * RPS, RPS)], acc_sh.at[pl.ds(s * RPS, RPS)])
    pltpu.sync_copy(src_hbm.at[wid], sidx_v)
    pltpu.sync_copy(dst_hbm.at[wid], didx_v)
    plsc.subcore_barrier()

    def body(j, carry):
        pltpu.async_copy(y_hbm.at[sidx_v.at[j]], rows_v, sem).wait()
        pltpu.sync_copy(rows_v, acc_sh.at[didx_v.at[j]], add=True)
        return carry

    lax.fori_loop(0, NJ, body, 0)
    plsc.subcore_barrier()
    pltpu.sync_copy(acc_sh.at[pl.ds(s * RPS, RPS)],
                    out_hbm.at[c].at[pl.ds(s * RPS, RPS)])


def _make_scatter(D):
    return pl.kernel(
        _scatter_body,
        mesh=_sc_mesh(),
        out_type=jax.ShapeDtypeStruct((NC, NP, D), jnp.float32),
        scratch_types=[
            pltpu.VMEM((NJ, CH), jnp.int32),
            pltpu.VMEM((NJ, CH), jnp.int32),
            pltpu.VMEM((CH, D), jnp.float32),
            pltpu.VMEM_SHARED((NP, D), jnp.float32),
            pltpu.SemaphoreType.DMA,
        ],
    )


_scatter128 = _make_scatter(128)


def _dinv(dega_ref, degb_ref):
    deg = dega_ref[:, 0:1] + degb_ref[:, 0:1] + 1.0
    return lax.rsqrt(deg)


def _y1_body(x_ref, w1_ref, dega_ref, degb_ref, y1_ref):
    dinv = _dinv(dega_ref, degb_ref)
    xw = jnp.dot(x_ref[...], w1_ref[...], preferred_element_type=jnp.float32)
    y1_ref[...] = xw * dinv


def _h1y2_body(a0_ref, a1_ref, y1_ref, dega_ref, degb_ref, w2_ref, b1_ref,
               y2_ref):
    dinv = _dinv(dega_ref, degb_ref)
    t = (a0_ref[...] + a1_ref[...] + y1_ref[...]) * dinv
    h1 = jnp.maximum(t[:, :64] + b1_ref[...], 0.0)
    y2_ref[...] = jnp.dot(h1, w2_ref[...],
                          preferred_element_type=jnp.float32) * dinv


def _final_body(a0_ref, a1_ref, y2_ref, dega_ref, degb_ref, b2_ref,
                batch_ref, wf_ref, bf_ref, out_ref):
    dinv = _dinv(dega_ref, degb_ref)
    h2 = jnp.maximum((a0_ref[...] + a1_ref[...] + y2_ref[...]) * dinv
                     + b2_ref[...], 0.0)
    gid = lax.broadcasted_iota(jnp.int32, (G, N), 0)
    sel = (batch_ref[...] == gid).astype(jnp.float32)
    sums = jnp.dot(sel, h2, preferred_element_type=jnp.float32)
    counts = jnp.sum(sel, axis=1, keepdims=True)
    pooled = sums / jnp.maximum(counts, 1.0)
    out_ref[...] = jnp.dot(pooled, wf_ref[...],
                           preferred_element_type=jnp.float32) + bf_ref[...]


def kernel(x, edge_index, batch, W1, b1, W2, b2, Wf, bf):
    src = edge_index[0].reshape(NW, NJ, CH)
    dst = edge_index[1].reshape(NW, NJ, CH)
    ones_rows = jnp.ones((CH, DEGW), jnp.float32)
    z128 = jnp.zeros((NP, 128), jnp.float32)
    w1p = jnp.pad(W1, ((0, 0), (0, 64)))

    degp = _deg_call(dst, ones_rows, z128)
    dega, degb = degp[0, :N], degp[1, :N]

    y1 = pl.pallas_call(
        _y1_body,
        out_shape=jax.ShapeDtypeStruct((N, 128), jnp.float32),
    )(x, w1p, dega, degb)

    agg1 = _scatter128(y1, src, dst, z128)
    a1a, a1b = agg1[0, :N], agg1[1, :N]

    y2 = pl.pallas_call(
        _h1y2_body,
        out_shape=jax.ShapeDtypeStruct((N, 128), jnp.float32),
    )(a1a, a1b, y1, dega, degb, W2, b1.reshape(1, 64))

    agg2 = _scatter128(y2, src, dst, z128)
    a2a, a2b = agg2[0, :N], agg2[1, :N]

    out = pl.pallas_call(
        _final_body,
        out_shape=jax.ShapeDtypeStruct((G, 128), jnp.float32),
    )(a2a, a2b, y2, dega, degb, b2.reshape(1, 128),
      batch.reshape(1, N), Wf, bf.reshape(1, 128))
    return out

# --- scband reference (transcript-rebuilt; emitter-appended) ---
"""Pipeline reference for scband-drug-graph-embedding-11836929868222 (READ-ONLY COPY).

The authoritative reference and input builder live on the scoring server;
editing this copy changes nothing except your own understanding.
"""

import jax, jax.numpy as jnp
import numpy as np

N = 10000
E = 320000
IN = 128
H1 = 64
H2 = 128
OUT = 128
G = 256


def setup_inputs(seed: int = 0) -> dict:
    key = jax.random.key(seed)
    ks = jax.random.split(key, 10)
    x = jax.random.normal(ks[0], (N, IN), dtype=jnp.float32)
    edge_index = jax.random.randint(ks[1], (2, E), 0, N, dtype=jnp.int32)
    batch = jnp.sort(jax.random.randint(ks[2], (N,), 0, G, dtype=jnp.int32))
    W1 = jax.random.normal(ks[3], (IN, H1), dtype=jnp.float32) * (1.0 / np.sqrt(IN))
    b1 = jnp.zeros((H1,), dtype=jnp.float32)
    W2 = jax.random.normal(ks[4], (H1, H2), dtype=jnp.float32) * (1.0 / np.sqrt(H1))
    b2 = jnp.zeros((H2,), dtype=jnp.float32)
    Wf = jax.random.normal(ks[5], (H2, OUT), dtype=jnp.float32) * (1.0 / np.sqrt(H2))
    bf = jnp.zeros((OUT,), dtype=jnp.float32)
    return {"x": x, "edge_index": edge_index, "batch": batch,
            "W1": W1, "b1": b1, "W2": W2, "b2": b2, "Wf": Wf, "bf": bf}


def _gcn_conv(x, edge_index, W, b):
    src = edge_index[0]
    dst = edge_index[1]
    loop = jnp.arange(N, dtype=src.dtype)
    src2 = jnp.concatenate([src, loop])
    dst2 = jnp.concatenate([dst, loop])
    deg = jax.ops.segment_sum(jnp.ones_like(dst2, dtype=jnp.float32), dst2, num_segments=N)
    dinv = jnp.where(deg > 0, 1.0 / jnp.sqrt(jnp.maximum(deg, 1e-12)), 0.0)
    norm = dinv[src2] * dinv[dst2]
    xw = x @ W
    msgs = jnp.take(xw, src2, axis=0) * norm[:, None]
    out = jax.ops.segment_sum(msgs, dst2, num_segments=N)
    return out + b


def reference(x, edge_index, batch, W1, b1, W2, b2, Wf, bf):
    h = jax.nn.relu(_gcn_conv(x, edge_index, W1, b1))
    h = jax.nn.relu(_gcn_conv(h, edge_index, W2, b2))
    sums = jax.ops.segment_sum(h, batch, num_segments=G)
    counts = jax.ops.segment_sum(jnp.ones((N,), dtype=jnp.float32), batch, num_segments=G)
    pooled = sums / jnp.maximum(counts, 1.0)[:, None]
    return pooled @ Wf + bf

if __name__ == "__main__":
    import jax
    _d = setup_inputs()
    print(jax.jit(kernel)(*tuple(_d.values())))

</pallas_src>

<mosaic_0001>
#map = affine_map<(d0, d1) -> (0, 0, 0)>
#map1 = affine_map<(d0, d1) -> (0, 0)>
module attributes {stable_mosaic.version = 14 : i64} {
  func.func @_deg_body(%arg0: i32, %arg1: i32, %arg2: memref<32x100x100xi32, #tpu.memory_space<hbm>>, %arg3: memref<100x128xf32, #tpu.memory_space<hbm>>, %arg4: memref<10112x128xf32, #tpu.memory_space<hbm>>, %arg5: memref<2x10112x128xf32, #tpu.memory_space<hbm>>, %arg6: memref<100x100xi32, #tpu.memory_space<vmem>>, %arg7: memref<100x128xf32, #tpu.memory_space<vmem>>, %arg8: memref<10112x128xf32, #tpu.memory_space<vmem_shared>>, %arg9: memref<!tpu.dma_semaphore, #tpu.memory_space<semaphore_mem>>) attributes {dimension_semantics = [#tpu.dimension_semantics<core_parallel>, #tpu.dimension_semantics<subcore_parallel>], iteration_bounds = array<i64: 2, 16>, scalar_prefetch = 0 : i64, scratch_operands = 4 : i64, tpu.core_type = #tpu.core_type<sc_vector_subcore>, window_params = [{transform_indices = #map}, {transform_indices = #map1}, {transform_indices = #map1}, {transform_indices = #map}]} {
    %mul3A = arith.constant 2 : i32
    %mul3A_0 = arith.muli %arg1, %mul3A : i32
    %add3A = arith.addi %mul3A_0, %arg0 : i32
    %mul3A_1 = arith.constant 632 : i32
    %mul3A_2 = arith.muli %arg1, %mul3A_1 : i32
    %mul3A_3 = arith.constant 632 : i32
    %mul3A_4 = arith.muli %arg1, %mul3A_3 : i32
    "tpu.region"() ({
      %run_scoped3A = tpu.sem_alloc : memref<!tpu.dma_semaphore, #tpu.memory_space<semaphore_mem>>
      %dma_start3A = arith.constant 0 : i32
      %dma_start3A_15 = tpu.memref_slice %arg8[%mul3A_4, %dma_start3A] : memref<10112x128xf32, #tpu.memory_space<vmem_shared>> -> memref<632x128xf32, #tpu.memory_space<vmem_shared>>
      %dma_start3A_16 = arith.constant 0 : i32
      %dma_start3A_17 = tpu.memref_slice %arg4[%mul3A_2, %dma_start3A_16] : memref<10112x128xf32, #tpu.memory_space<hbm>> -> memref<632x128xf32, #tpu.memory_space<hbm>>
      tpu.enqueue_dma source(%dma_start3A_17 : memref<632x128xf32, #tpu.memory_space<hbm>>) target(%dma_start3A_15 : memref<632x128xf32, #tpu.memory_space<vmem_shared>>) target_semaphore(%run_scoped3A : memref<!tpu.dma_semaphore, #tpu.memory_space<semaphore_mem>>)
      %dma_wait3A = arith.constant 0 : i32
      %dma_wait3A_18 = tpu.memref_slice %arg8[%mul3A_4, %dma_wait3A] : memref<10112x128xf32, #tpu.memory_space<vmem_shared>> -> memref<632x128xf32, #tpu.memory_space<vmem_shared>>
      %dma_wait3A_19 = arith.constant 0 : i32
      %dma_wait3A_20 = tpu.memref_slice %arg4[%mul3A_2, %dma_wait3A_19] : memref<10112x128xf32, #tpu.memory_space<hbm>> -> memref<632x128xf32, #tpu.memory_space<hbm>>
      tpu.wait_dma2 semaphore(%run_scoped3A : memref<!tpu.dma_semaphore, #tpu.memory_space<semaphore_mem>>) src(%dma_wait3A_20 : memref<632x128xf32, #tpu.memory_space<hbm>>) dst(%dma_wait3A_18 : memref<632x128xf32, #tpu.memory_space<vmem_shared>>)
      tpu.yield
    }) : () -> ()
    "tpu.region"() ({
      %run_scoped3A = tpu.sem_alloc : memref<!tpu.dma_semaphore, #tpu.memory_space<semaphore_mem>>
      tpu.enqueue_dma source(%arg3 : memref<100x128xf32, #tpu.memory_space<hbm>>) target(%arg7 : memref<100x128xf32, #tpu.memory_space<vmem>>) target_semaphore(%run_scoped3A : memref<!tpu.dma_semaphore, #tpu.memory_space<semaphore_mem>>)
      tpu.wait_dma2 semaphore(%run_scoped3A : memref<!tpu.dma_semaphore, #tpu.memory_space<semaphore_mem>>) src(%arg3 : memref<100x128xf32, #tpu.memory_space<hbm>>) dst(%arg7 : memref<100x128xf32, #tpu.memory_space<vmem>>)
      tpu.yield
    }) : () -> ()
    "tpu.region"() ({
      %run_scoped3A = tpu.sem_alloc : memref<!tpu.dma_semaphore, #tpu.memory_space<semaphore_mem>>
      %dma_start3A = arith.constant 0 : i32
      %dma_start3A_15 = arith.constant 0 : i32
      %dma_start3A_16 = tpu.memref_slice %arg2[%add3A, %dma_start3A, %dma_start3A_15] : memref<32x100x100xi32, #tpu.memory_space<hbm>> -> memref<1x100x100xi32, #tpu.memory_space<hbm>>
      %dma_start3A_17 = tpu.memref_squeeze %dma_start3A_16 : memref<1x100x100xi32, #tpu.memory_space<hbm>> -> memref<100x100xi32, #tpu.memory_space<hbm>>
      %dma_start3A_18 = arith.constant 0 : i32
      %dma_start3A_19 = arith.constant 0 : i32
      %dma_start3A_20 = tpu.memref_slice %arg2[%add3A, %dma_start3A_18, %dma_start3A_19] : memref<32x100x100xi32, #tpu.memory_space<hbm>> -> memref<1x100x100xi32, #tpu.memory_space<hbm>>
      %dma_start3A_21 = tpu.memref_squeeze %dma_start3A_20 : memref<1x100x100xi32, #tpu.memory_space<hbm>> -> memref<100x100xi32, #tpu.memory_space<hbm>>
      tpu.enqueue_dma source(%dma_start3A_21 : memref<100x100xi32, #tpu.memory_space<hbm>>) target(%arg6 : memref<100x100xi32, #tpu.memory_space<vmem>>) target_semaphore(%run_scoped3A : memref<!tpu.dma_semaphore, #tpu.memory_space<semaphore_mem>>)
      %dma_wait3A = arith.constant 0 : i32
      %dma_wait3A_22 = arith.constant 0 : i32
      %dma_wait3A_23 = tpu.memref_slice %arg2[%add3A, %dma_wait3A, %dma_wait3A_22] : memref<32x100x100xi32, #tpu.memory_space<hbm>> -> memref<1x100x100xi32, #tpu.memory_space<hbm>>
      %dma_wait3A_24 = tpu.memref_squeeze %dma_wait3A_23 : memref<1x100x100xi32, #tpu.memory_space<hbm>> -> memref<100x100xi32, #tpu.memory_space<hbm>>
      %dma_wait3A_25 = arith.constant 0 : i32
      %dma_wait3A_26 = arith.constant 0 : i32
      %dma_wait3A_27 = tpu.memref_slice %arg2[%add3A, %dma_wait3A_25, %dma_wait3A_26] : memref<32x100x100xi32, #tpu.memory_space<hbm>> -> memref<1x100x100xi32, #tpu.memory_space<hbm>>
      %dma_wait3A_28 = tpu.memref_squeeze %dma_wait3A_27 : memref<1x100x100xi32, #tpu.memory_space<hbm>> -> memref<100x100xi32, #tpu.memory_space<hbm>>
      tpu.wait_dma2 semaphore(%run_scoped3A : memref<!tpu.dma_semaphore, #tpu.memory_space<semaphore_mem>>) src(%dma_wait3A_28 : memref<100x100xi32, #tpu.memory_space<hbm>>) dst(%arg6 : memref<100x100xi32, #tpu.memory_space<vmem>>)
      tpu.yield
    }) : () -> ()
    %barrier3A = arith.constant 0 : index
    tpu.barrier barrier_id(%barrier3A)
    %scan3A = arith.constant 0 : i32
    %scan3A_5 = arith.constant 0 : i32
    %scan3A_6 = arith.constant 100 : i32
    %scan3A_7 = arith.addi %scan3A_5, %scan3A_6 : i32
    %scan3A_8 = arith.constant 1 : i32
    scf.for %scan3A_15 = %scan3A_5 to %scan3A_7 step %scan3A_8  : i32 {
      "tpu.region"() ({
        %run_scoped3A = tpu.sem_alloc : memref<!tpu.dma_semaphore, #tpu.memory_space<semaphore_mem>>
        %dma_start3A = arith.constant 0 : i32
        %dma_start3A_16 = tpu.memref_slice %arg6[%scan3A_15, %dma_start3A] : memref<100x100xi32, #tpu.memory_space<vmem>> -> memref<1x100xi32, #tpu.memory_space<vmem>>
        %dma_start3A_17 = tpu.memref_squeeze %dma_start3A_16 : memref<1x100xi32, #tpu.memory_space<vmem>> -> memref<100xi32, #tpu.memory_space<vmem>>
        %dma_start3A_18 = arith.constant 0 : i32
        %dma_start3A_19 = arith.constant 0 : i32
        %dma_start3A_20 = tpu.memref_slice %arg8[%dma_start3A_18, %dma_start3A_19] : memref<10112x128xf32, #tpu.memory_space<vmem_shared>> -> memref<10112x128xf32, #tpu.memory_space<vmem_shared>>
        tpu.enqueue_indirect_dma source(%arg7 : memref<100x128xf32, #tpu.memory_space<vmem>>) target(%dma_start3A_20 : memref<10112x128xf32, #tpu.memory_space<vmem_shared>>) offsets(%dma_start3A_17 : memref<100xi32, #tpu.memory_space<vmem>>) semaphore(%run_scoped3A : memref<!tpu.dma_semaphore, #tpu.memory_space<semaphore_mem>>) {add = true}
        %dma_wait3A = arith.constant 0 : i32
        %dma_wait3A_21 = tpu.memref_slice %arg6[%scan3A_15, %dma_wait3A] : memref<100x100xi32, #tpu.memory_space<vmem>> -> memref<1x100xi32, #tpu.memory_space<vmem>>
        %dma_wait3A_22 = tpu.memref_squeeze %dma_wait3A_21 : memref<1x100xi32, #tpu.memory_space<vmem>> -> memref<100xi32, #tpu.memory_space<vmem>>
        %dma_wait3A_23 = arith.constant 0 : i32
        %dma_wait3A_24 = arith.constant 0 : i32
        %dma_wait3A_25 = tpu.memref_slice %arg8[%dma_wait3A_23, %dma_wait3A_24] : memref<10112x128xf32, #tpu.memory_space<vmem_shared>> -> memref<10112x128xf32, #tpu.memory_space<vmem_shared>>
        tpu.wait_indirect_dma semaphore(%run_scoped3A : memref<!tpu.dma_semaphore, #tpu.memory_space<semaphore_mem>>) src(%arg7 : memref<100x128xf32, #tpu.memory_space<vmem>>) dst(%dma_wait3A_25 : memref<10112x128xf32, #tpu.memory_space<vmem_shared>>)
        tpu.yield
      }) : () -> ()
    }
    %scan3A_9 = arith.constant 100 : i32
    %barrier3A_10 = arith.constant 0 : index
    tpu.barrier barrier_id(%barrier3A_10)
    %mul3A_11 = arith.constant 632 : i32
    %mul3A_12 = arith.muli %arg1, %mul3A_11 : i32
    %mul3A_13 = arith.constant 632 : i32
    %mul3A_14 = arith.muli %arg1, %mul3A_13 : i32
    "tpu.region"() ({
      %run_scoped3A = tpu.sem_alloc : memref<!tpu.dma_semaphore, #tpu.memory_space<semaphore_mem>>
      %dma_start3A = arith.constant 0 : i32
      %dma_start3A_15 = arith.constant 0 : i32
      %dma_start3A_16 = tpu.memref_slice %arg5[%arg0, %dma_start3A, %dma_start3A_15] : memref<2x10112x128xf32, #tpu.memory_space<hbm>> -> memref<1x10112x128xf32, #tpu.memory_space<hbm>>
      %dma_start3A_17 = tpu.memref_squeeze %dma_start3A_16 : memref<1x10112x128xf32, #tpu.memory_space<hbm>> -> memref<10112x128xf32, #tpu.memory_space<hbm>>
      %dma_start3A_18 = arith.constant 0 : i32
      %dma_start3A_19 = tpu.memref_slice %dma_start3A_17[%mul3A_14, %dma_start3A_18] : memref<10112x128xf32, #tpu.memory_space<hbm>> -> memref<632x128xf32, #tpu.memory_space<hbm>>
      %dma_start3A_20 = arith.constant 0 : i32
      %dma_start3A_21 = tpu.memref_slice %arg8[%mul3A_12, %dma_start3A_20] : memref<10112x128xf32, #tpu.memory_space<vmem_shared>> -> memref<632x128xf32, #tpu.memory_space<vmem_shared>>
      tpu.enqueue_dma source(%dma_start3A_21 : memref<632x128xf32, #tpu.memory_space<vmem_shared>>) target(%dma_start3A_19 : memref<632x128xf32, #tpu.memory_space<hbm>>) target_semaphore(%run_scoped3A : memref<!tpu.dma_semaphore, #tpu.memory_space<semaphore_mem>>)
      %dma_wait3A = arith.constant 0 : i32
      %dma_wait3A_22 = arith.constant 0 : i32
      %dma_wait3A_23 = tpu.memref_slice %arg5[%arg0, %dma_wait3A, %dma_wait3A_22] : memref<2x10112x128xf32, #tpu.memory_space<hbm>> -> memref<1x10112x128xf32, #tpu.memory_space<hbm>>
      %dma_wait3A_24 = tpu.memref_squeeze %dma_wait3A_23 : memref<1x10112x128xf32, #tpu.memory_space<hbm>> -> memref<10112x128xf32, #tpu.memory_space<hbm>>
      %dma_wait3A_25 = arith.constant 0 : i32
      %dma_wait3A_26 = tpu.memref_slice %dma_wait3A_24[%mul3A_14, %dma_wait3A_25] : memref<10112x128xf32, #tpu.memory_space<hbm>> -> memref<632x128xf32, #tpu.memory_space<hbm>>
      %dma_wait3A_27 = arith.constant 0 : i32
      %dma_wait3A_28 = tpu.memref_slice %arg8[%mul3A_12, %dma_wait3A_27] : memref<10112x128xf32, #tpu.memory_space<vmem_shared>> -> memref<632x128xf32, #tpu.memory_space<vmem_shared>>
      tpu.wait_dma2 semaphore(%run_scoped3A : memref<!tpu.dma_semaphore, #tpu.memory_space<semaphore_mem>>) src(%dma_wait3A_28 : memref<632x128xf32, #tpu.memory_space<vmem_shared>>) dst(%dma_wait3A_26 : memref<632x128xf32, #tpu.memory_space<hbm>>)
      tpu.yield
    }) : () -> ()
    return
  }
}

#map = affine_map<(d0, d1) -> (0, 0)>
#map1 = affine_map<(d0, d1) -> (0, 0, 0)>
module attributes {stable_mosaic.version = 14 : i64} {
  func.func @_scatter_body(%arg0: i32, %arg1: i32, %arg2: memref<10000x128xf32, #tpu.memory_space<hbm>>, %arg3: memref<32x100x100xi32, #tpu.memory_space<hbm>>, %arg4: memref<32x100x100xi32, #tpu.memory_space<hbm>>, %arg5: memref<10112x128xf32, #tpu.memory_space<hbm>>, %arg6: memref<2x10112x128xf32, #tpu.memory_space<hbm>>, %arg7: memref<100x100xi32, #tpu.memory_space<vmem>>, %arg8: memref<100x100xi32, #tpu.memory_space<vmem>>, %arg9: memref<100x128xf32, #tpu.memory_space<vmem>>, %arg10: memref<10112x128xf32, #tpu.memory_space<vmem_shared>>, %arg11: memref<!tpu.dma_semaphore, #tpu.memory_space<semaphore_mem>>) attributes {dimension_semantics = [#tpu.dimension_semantics<core_parallel>, #tpu.dimension_semantics<subcore_parallel>], iteration_bounds = array<i64: 2, 16>, scalar_prefetch = 0 : i64, scratch_operands = 5 : i64, tpu.core_type = #tpu.core_type<sc_vector_subcore>, window_params = [{transform_indices = #map}, {transform_indices = #map1}, {transform_indices = #map1}, {transform_indices = #map}, {transform_indices = #map1}]} {
    %mul3A = arith.constant 2 : i32
    %mul3A_0 = arith.muli %arg1, %mul3A : i32
    %add3A = arith.addi %mul3A_0, %arg0 : i32
    %mul3A_1 = arith.constant 632 : i32
    %mul3A_2 = arith.muli %arg1, %mul3A_1 : i32
    %mul3A_3 = arith.constant 632 : i32
    %mul3A_4 = arith.muli %arg1, %mul3A_3 : i32
    "tpu.region"() ({
      %run_scoped3A = tpu.sem_alloc : memref<!tpu.dma_semaphore, #tpu.memory_space<semaphore_mem>>
      %dma_start3A = arith.constant 0 : i32
      %dma_start3A_15 = tpu.memref_slice %arg10[%mul3A_4, %dma_start3A] : memref<10112x128xf32, #tpu.memory_space<vmem_shared>> -> memref<632x128xf32, #tpu.memory_space<vmem_shared>>
      %dma_start3A_16 = arith.constant 0 : i32
      %dma_start3A_17 = tpu.memref_slice %arg5[%mul3A_2, %dma_start3A_16] : memref<10112x128xf32, #tpu.memory_space<hbm>> -> memref<632x128xf32, #tpu.memory_space<hbm>>
      tpu.enqueue_dma source(%dma_start3A_17 : memref<632x128xf32, #tpu.memory_space<hbm>>) target(%dma_start3A_15 : memref<632x128xf32, #tpu.memory_space<vmem_shared>>) target_semaphore(%run_scoped3A : memref<!tpu.dma_semaphore, #tpu.memory_space<semaphore_mem>>)
      %dma_wait3A = arith.constant 0 : i32
      %dma_wait3A_18 = tpu.memref_slice %arg10[%mul3A_4, %dma_wait3A] : memref<10112x128xf32, #tpu.memory_space<vmem_shared>> -> memref<632x128xf32, #tpu.memory_space<vmem_shared>>
      %dma_wait3A_19 = arith.constant 0 : i32
      %dma_wait3A_20 = tpu.memref_slice %arg5[%mul3A_2, %dma_wait3A_19] : memref<10112x128xf32, #tpu.memory_space<hbm>> -> memref<632x128xf32, #tpu.memory_space<hbm>>
      tpu.wait_dma2 semaphore(%run_scoped3A : memref<!tpu.dma_semaphore, #tpu.memory_space<semaphore_mem>>) src(%dma_wait3A_20 : memref<632x128xf32, #tpu.memory_space<hbm>>) dst(%dma_wait3A_18 : memref<632x128xf32, #tpu.memory_space<vmem_shared>>)
      tpu.yield
    }) : () -> ()
    "tpu.region"() ({
      %run_scoped3A = tpu.sem_alloc : memref<!tpu.dma_semaphore, #tpu.memory_space<semaphore_mem>>
      %dma_start3A = arith.constant 0 : i32
      %dma_start3A_15 = arith.constant 0 : i32
      %dma_start3A_16 = tpu.memref_slice %arg3[%add3A, %dma_start3A, %dma_start3A_15] : memref<32x100x100xi32, #tpu.memory_space<hbm>> -> memref<1x100x100xi32, #tpu.memory_space<hbm>>
      %dma_start3A_17 = tpu.memref_squeeze %dma_start3A_16 : memref<1x100x100xi32, #tpu.memory_space<hbm>> -> memref<100x100xi32, #tpu.memory_space<hbm>>
      %dma_start3A_18 = arith.constant 0 : i32
      %dma_start3A_19 = arith.constant 0 : i32
      %dma_start3A_20 = tpu.memref_slice %arg3[%add3A, %dma_start3A_18, %dma_start3A_19] : memref<32x100x100xi32, #tpu.memory_space<hbm>> -> memref<1x100x100xi32, #tpu.memory_space<hbm>>
      %dma_start3A_21 = tpu.memref_squeeze %dma_start3A_20 : memref<1x100x100xi32, #tpu.memory_space<hbm>> -> memref<100x100xi32, #tpu.memory_space<hbm>>
      tpu.enqueue_dma source(%dma_start3A_21 : memref<100x100xi32, #tpu.memory_space<hbm>>) target(%arg7 : memref<100x100xi32, #tpu.memory_space<vmem>>) target_semaphore(%run_scoped3A : memref<!tpu.dma_semaphore, #tpu.memory_space<semaphore_mem>>)
      %dma_wait3A = arith.constant 0 : i32
      %dma_wait3A_22 = arith.constant 0 : i32
      %dma_wait3A_23 = tpu.memref_slice %arg3[%add3A, %dma_wait3A, %dma_wait3A_22] : memref<32x100x100xi32, #tpu.memory_space<hbm>> -> memref<1x100x100xi32, #tpu.memory_space<hbm>>
      %dma_wait3A_24 = tpu.memref_squeeze %dma_wait3A_23 : memref<1x100x100xi32, #tpu.memory_space<hbm>> -> memref<100x100xi32, #tpu.memory_space<hbm>>
      %dma_wait3A_25 = arith.constant 0 : i32
      %dma_wait3A_26 = arith.constant 0 : i32
      %dma_wait3A_27 = tpu.memref_slice %arg3[%add3A, %dma_wait3A_25, %dma_wait3A_26] : memref<32x100x100xi32, #tpu.memory_space<hbm>> -> memref<1x100x100xi32, #tpu.memory_space<hbm>>
      %dma_wait3A_28 = tpu.memref_squeeze %dma_wait3A_27 : memref<1x100x100xi32, #tpu.memory_space<hbm>> -> memref<100x100xi32, #tpu.memory_space<hbm>>
      tpu.wait_dma2 semaphore(%run_scoped3A : memref<!tpu.dma_semaphore, #tpu.memory_space<semaphore_mem>>) src(%dma_wait3A_28 : memref<100x100xi32, #tpu.memory_space<hbm>>) dst(%arg7 : memref<100x100xi32, #tpu.memory_space<vmem>>)
      tpu.yield
    }) : () -> ()
    "tpu.region"() ({
      %run_scoped3A = tpu.sem_alloc : memref<!tpu.dma_semaphore, #tpu.memory_space<semaphore_mem>>
      %dma_start3A = arith.constant 0 : i32
      %dma_start3A_15 = arith.constant 0 : i32
      %dma_start3A_16 = tpu.memref_slice %arg4[%add3A, %dma_start3A, %dma_start3A_15] : memref<32x100x100xi32, #tpu.memory_space<hbm>> -> memref<1x100x100xi32, #tpu.memory_space<hbm>>
      %dma_start3A_17 = tpu.memref_squeeze %dma_start3A_16 : memref<1x100x100xi32, #tpu.memory_space<hbm>> -> memref<100x100xi32, #tpu.memory_space<hbm>>
      %dma_start3A_18 = arith.constant 0 : i32
      %dma_start3A_19 = arith.constant 0 : i32
      %dma_start3A_20 = tpu.memref_slice %arg4[%add3A, %dma_start3A_18, %dma_start3A_19] : memref<32x100x100xi32, #tpu.memory_space<hbm>> -> memref<1x100x100xi32, #tpu.memory_space<hbm>>
      %dma_start3A_21 = tpu.memref_squeeze %dma_start3A_20 : memref<1x100x100xi32, #tpu.memory_space<hbm>> -> memref<100x100xi32, #tpu.memory_space<hbm>>
      tpu.enqueue_dma source(%dma_start3A_21 : memref<100x100xi32, #tpu.memory_space<hbm>>) target(%arg8 : memref<100x100xi32, #tpu.memory_space<vmem>>) target_semaphore(%run_scoped3A : memref<!tpu.dma_semaphore, #tpu.memory_space<semaphore_mem>>)
      %dma_wait3A = arith.constant 0 : i32
      %dma_wait3A_22 = arith.constant 0 : i32
      %dma_wait3A_23 = tpu.memref_slice %arg4[%add3A, %dma_wait3A, %dma_wait3A_22] : memref<32x100x100xi32, #tpu.memory_space<hbm>> -> memref<1x100x100xi32, #tpu.memory_space<hbm>>
      %dma_wait3A_24 = tpu.memref_squeeze %dma_wait3A_23 : memref<1x100x100xi32, #tpu.memory_space<hbm>> -> memref<100x100xi32, #tpu.memory_space<hbm>>
      %dma_wait3A_25 = arith.constant 0 : i32
      %dma_wait3A_26 = arith.constant 0 : i32
      %dma_wait3A_27 = tpu.memref_slice %arg4[%add3A, %dma_wait3A_25, %dma_wait3A_26] : memref<32x100x100xi32, #tpu.memory_space<hbm>> -> memref<1x100x100xi32, #tpu.memory_space<hbm>>
      %dma_wait3A_28 = tpu.memref_squeeze %dma_wait3A_27 : memref<1x100x100xi32, #tpu.memory_space<hbm>> -> memref<100x100xi32, #tpu.memory_space<hbm>>
      tpu.wait_dma2 semaphore(%run_scoped3A : memref<!tpu.dma_semaphore, #tpu.memory_space<semaphore_mem>>) src(%dma_wait3A_28 : memref<100x100xi32, #tpu.memory_space<hbm>>) dst(%arg8 : memref<100x100xi32, #tpu.memory_space<vmem>>)
      tpu.yield
    }) : () -> ()
    %barrier3A = arith.constant 0 : index
    tpu.barrier barrier_id(%barrier3A)
    %scan3A = arith.constant 0 : i32
    %scan3A_5 = arith.constant 0 : i32
    %scan3A_6 = arith.constant 100 : i32
    %scan3A_7 = arith.addi %scan3A_5, %scan3A_6 : i32
    %scan3A_8 = arith.constant 1 : i32
    scf.for %scan3A_15 = %scan3A_5 to %scan3A_7 step %scan3A_8  : i32 {
      %dma_start3A = arith.constant 0 : i32
      %dma_start3A_16 = tpu.memref_slice %arg7[%scan3A_15, %dma_start3A] : memref<100x100xi32, #tpu.memory_space<vmem>> -> memref<1x100xi32, #tpu.memory_space<vmem>>
      %dma_start3A_17 = tpu.memref_squeeze %dma_start3A_16 : memref<1x100xi32, #tpu.memory_space<vmem>> -> memref<100xi32, #tpu.memory_space<vmem>>
      %dma_start3A_18 = arith.constant 0 : i32
      %dma_start3A_19 = arith.constant 0 : i32
      %dma_start3A_20 = tpu.memref_slice %arg2[%dma_start3A_18, %dma_start3A_19] : memref<10000x128xf32, #tpu.memory_space<hbm>> -> memref<10000x128xf32, #tpu.memory_space<hbm>>
      tpu.enqueue_indirect_dma source(%dma_start3A_20 : memref<10000x128xf32, #tpu.memory_space<hbm>>) target(%arg9 : memref<100x128xf32, #tpu.memory_space<vmem>>) offsets(%dma_start3A_17 : memref<100xi32, #tpu.memory_space<vmem>>) semaphore(%arg11 : memref<!tpu.dma_semaphore, #tpu.memory_space<semaphore_mem>>)
      %dma_wait3A = arith.constant 0 : i32
      %dma_wait3A_21 = tpu.memref_slice %arg7[%scan3A_15, %dma_wait3A] : memref<100x100xi32, #tpu.memory_space<vmem>> -> memref<1x100xi32, #tpu.memory_space<vmem>>
      %dma_wait3A_22 = tpu.memref_squeeze %dma_wait3A_21 : memref<1x100xi32, #tpu.memory_space<vmem>> -> memref<100xi32, #tpu.memory_space<vmem>>
      %dma_wait3A_23 = arith.constant 0 : i32
      %dma_wait3A_24 = arith.constant 0 : i32
      %dma_wait3A_25 = tpu.memref_slice %arg2[%dma_wait3A_23, %dma_wait3A_24] : memref<10000x128xf32, #tpu.memory_space<hbm>> -> memref<10000x128xf32, #tpu.memory_space<hbm>>
      tpu.wait_indirect_dma semaphore(%arg11 : memref<!tpu.dma_semaphore, #tpu.memory_space<semaphore_mem>>) src(%dma_wait3A_25 : memref<10000x128xf32, #tpu.memory_space<hbm>>) dst(%arg9 : memref<100x128xf32, #tpu.memory_space<vmem>>)
      "tpu.region"() ({
        %run_scoped3A = tpu.sem_alloc : memref<!tpu.dma_semaphore, #tpu.memory_space<semaphore_mem>>
        %dma_start3A_26 = arith.constant 0 : i32
        %dma_start3A_27 = tpu.memref_slice %arg8[%scan3A_15, %dma_start3A_26] : memref<100x100xi32, #tpu.memory_space<vmem>> -> memref<1x100xi32, #tpu.memory_space<vmem>>
        %dma_start3A_28 = tpu.memref_squeeze %dma_start3A_27 : memref<1x100xi32, #tpu.memory_space<vmem>> -> memref<100xi32, #tpu.memory_space<vmem>>
        %dma_start3A_29 = arith.constant 0 : i32
        %dma_start3A_30 = arith.constant 0 : i32
        %dma_start3A_31 = tpu.memref_slice %arg10[%dma_start3A_29, %dma_start3A_30] : memref<10112x128xf32, #tpu.memory_space<vmem_shared>> -> memref<10112x128xf32, #tpu.memory_space<vmem_shared>>
        tpu.enqueue_indirect_dma source(%arg9 : memref<100x128xf32, #tpu.memory_space<vmem>>) target(%dma_start3A_31 : memref<10112x128xf32, #tpu.memory_space<vmem_shared>>) offsets(%dma_start3A_28 : memref<100xi32, #tpu.memory_space<vmem>>) semaphore(%run_scoped3A : memref<!tpu.dma_semaphore, #tpu.memory_space<semaphore_mem>>) {add = true}
        %dma_wait3A_32 = arith.constant 0 : i32
        %dma_wait3A_33 = tpu.memref_slice %arg8[%scan3A_15, %dma_wait3A_32] : memref<100x100xi32, #tpu.memory_space<vmem>> -> memref<1x100xi32, #tpu.memory_space<vmem>>
        %dma_wait3A_34 = tpu.memref_squeeze %dma_wait3A_33 : memref<1x100xi32, #tpu.memory_space<vmem>> -> memref<100xi32, #tpu.memory_space<vmem>>
        %dma_wait3A_35 = arith.constant 0 : i32
        %dma_wait3A_36 = arith.constant 0 : i32
        %dma_wait3A_37 = tpu.memref_slice %arg10[%dma_wait3A_35, %dma_wait3A_36] : memref<10112x128xf32, #tpu.memory_space<vmem_shared>> -> memref<10112x128xf32, #tpu.memory_space<vmem_shared>>
        tpu.wait_indirect_dma semaphore(%run_scoped3A : memref<!tpu.dma_semaphore, #tpu.memory_space<semaphore_mem>>) src(%arg9 : memref<100x128xf32, #tpu.memory_space<vmem>>) dst(%dma_wait3A_37 : memref<10112x128xf32, #tpu.memory_space<vmem_shared>>)
        tpu.yield
      }) : () -> ()
    }
    %scan3A_9 = arith.constant 100 : i32
    %barrier3A_10 = arith.constant 0 : index
    tpu.barrier barrier_id(%barrier3A_10)
    %mul3A_11 = arith.constant 632 : i32
    %mul3A_12 = arith.muli %arg1, %mul3A_11 : i32
    %mul3A_13 = arith.constant 632 : i32
    %mul3A_14 = arith.muli %arg1, %mul3A_13 : i32
    "tpu.region"() ({
      %run_scoped3A = tpu.sem_alloc : memref<!tpu.dma_semaphore, #tpu.memory_space<semaphore_mem>>
      %dma_start3A = arith.constant 0 : i32
      %dma_start3A_15 = arith.constant 0 : i32
      %dma_start3A_16 = tpu.memref_slice %arg6[%arg0, %dma_start3A, %dma_start3A_15] : memref<2x10112x128xf32, #tpu.memory_space<hbm>> -> memref<1x10112x128xf32, #tpu.memory_space<hbm>>
      %dma_start3A_17 = tpu.memref_squeeze %dma_start3A_16 : memref<1x10112x128xf32, #tpu.memory_space<hbm>> -> memref<10112x128xf32, #tpu.memory_space<hbm>>
      %dma_start3A_18 = arith.constant 0 : i32
      %dma_start3A_19 = tpu.memref_slice %dma_start3A_17[%mul3A_14, %dma_start3A_18] : memref<10112x128xf32, #tpu.memory_space<hbm>> -> memref<632x128xf32, #tpu.memory_space<hbm>>
      %dma_start3A_20 = arith.constant 0 : i32
      %dma_start3A_21 = tpu.memref_slice %arg10[%mul3A_12, %dma_start3A_20] : memref<10112x128xf32, #tpu.memory_space<vmem_shared>> -> memref<632x128xf32, #tpu.memory_space<vmem_shared>>
      tpu.enqueue_dma source(%dma_start3A_21 : memref<632x128xf32, #tpu.memory_space<vmem_shared>>) target(%dma_start3A_19 : memref<632x128xf32, #tpu.memory_space<hbm>>) target_semaphore(%run_scoped3A : memref<!tpu.dma_semaphore, #tpu.memory_space<semaphore_mem>>)
      %dma_wait3A = arith.constant 0 : i32
      %dma_wait3A_22 = arith.constant 0 : i32
      %dma_wait3A_23 = tpu.memref_slice %arg6[%arg0, %dma_wait3A, %dma_wait3A_22] : memref<2x10112x128xf32, #tpu.memory_space<hbm>> -> memref<1x10112x128xf32, #tpu.memory_space<hbm>>
      %dma_wait3A_24 = tpu.memref_squeeze %dma_wait3A_23 : memref<1x10112x128xf32, #tpu.memory_space<hbm>> -> memref<10112x128xf32, #tpu.memory_space<hbm>>
      %dma_wait3A_25 = arith.constant 0 : i32
      %dma_wait3A_26 = tpu.memref_slice %dma_wait3A_24[%mul3A_14, %dma_wait3A_25] : memref<10112x128xf32, #tpu.memory_space<hbm>> -> memref<632x128xf32, #tpu.memory_space<hbm>>
      %dma_wait3A_27 = arith.constant 0 : i32
      %dma_wait3A_28 = tpu.memref_slice %arg10[%mul3A_12, %dma_wait3A_27] : memref<10112x128xf32, #tpu.memory_space<vmem_shared>> -> memref<632x128xf32, #tpu.memory_space<vmem_shared>>
      tpu.wait_dma2 semaphore(%run_scoped3A : memref<!tpu.dma_semaphore, #tpu.memory_space<semaphore_mem>>) src(%dma_wait3A_28 : memref<632x128xf32, #tpu.memory_space<vmem_shared>>) dst(%dma_wait3A_26 : memref<632x128xf32, #tpu.memory_space<hbm>>)
      tpu.yield
    }) : () -> ()
    return
  }
}

#map = affine_map<(d0, d1) -> (0, 0)>
#map1 = affine_map<(d0, d1) -> (0, 0, 0)>
module attributes {stable_mosaic.version = 14 : i64} {
  func.func @_scatter_body(%arg0: i32, %arg1: i32, %arg2: memref<10000x128xf32, #tpu.memory_space<hbm>>, %arg3: memref<32x100x100xi32, #tpu.memory_space<hbm>>, %arg4: memref<32x100x100xi32, #tpu.memory_space<hbm>>, %arg5: memref<10112x128xf32, #tpu.memory_space<hbm>>, %arg6: memref<2x10112x128xf32, #tpu.memory_space<hbm>>, %arg7: memref<100x100xi32, #tpu.memory_space<vmem>>, %arg8: memref<100x100xi32, #tpu.memory_space<vmem>>, %arg9: memref<100x128xf32, #tpu.memory_space<vmem>>, %arg10: memref<10112x128xf32, #tpu.memory_space<vmem_shared>>, %arg11: memref<!tpu.dma_semaphore, #tpu.memory_space<semaphore_mem>>) attributes {dimension_semantics = [#tpu.dimension_semantics<core_parallel>, #tpu.dimension_semantics<subcore_parallel>], iteration_bounds = array<i64: 2, 16>, scalar_prefetch = 0 : i64, scratch_operands = 5 : i64, tpu.core_type = #tpu.core_type<sc_vector_subcore>, window_params = [{transform_indices = #map}, {transform_indices = #map1}, {transform_indices = #map1}, {transform_indices = #map}, {transform_indices = #map1}]} {
    %mul3A = arith.constant 2 : i32
    %mul3A_0 = arith.muli %arg1, %mul3A : i32
    %add3A = arith.addi %mul3A_0, %arg0 : i32
    %mul3A_1 = arith.constant 632 : i32
    %mul3A_2 = arith.muli %arg1, %mul3A_1 : i32
    %mul3A_3 = arith.constant 632 : i32
    %mul3A_4 = arith.muli %arg1, %mul3A_3 : i32
    "tpu.region"() ({
      %run_scoped3A = tpu.sem_alloc : memref<!tpu.dma_semaphore, #tpu.memory_space<semaphore_mem>>
      %dma_start3A = arith.constant 0 : i32
      %dma_start3A_15 = tpu.memref_slice %arg10[%mul3A_4, %dma_start3A] : memref<10112x128xf32, #tpu.memory_space<vmem_shared>> -> memref<632x128xf32, #tpu.memory_space<vmem_shared>>
      %dma_start3A_16 = arith.constant 0 : i32
      %dma_start3A_17 = tpu.memref_slice %arg5[%mul3A_2, %dma_start3A_16] : memref<10112x128xf32, #tpu.memory_space<hbm>> -> memref<632x128xf32, #tpu.memory_space<hbm>>
      tpu.enqueue_dma source(%dma_start3A_17 : memref<632x128xf32, #tpu.memory_space<hbm>>) target(%dma_start3A_15 : memref<632x128xf32, #tpu.memory_space<vmem_shared>>) target_semaphore(%run_scoped3A : memref<!tpu.dma_semaphore, #tpu.memory_space<semaphore_mem>>)
      %dma_wait3A = arith.constant 0 : i32
      %dma_wait3A_18 = tpu.memref_slice %arg10[%mul3A_4, %dma_wait3A] : memref<10112x128xf32, #tpu.memory_space<vmem_shared>> -> memref<632x128xf32, #tpu.memory_space<vmem_shared>>
      %dma_wait3A_19 = arith.constant 0 : i32
      %dma_wait3A_20 = tpu.memref_slice %arg5[%mul3A_2, %dma_wait3A_19] : memref<10112x128xf32, #tpu.memory_space<hbm>> -> memref<632x128xf32, #tpu.memory_space<hbm>>
      tpu.wait_dma2 semaphore(%run_scoped3A : memref<!tpu.dma_semaphore, #tpu.memory_space<semaphore_mem>>) src(%dma_wait3A_20 : memref<632x128xf32, #tpu.memory_space<hbm>>) dst(%dma_wait3A_18 : memref<632x128xf32, #tpu.memory_space<vmem_shared>>)
      tpu.yield
    }) : () -> ()
    "tpu.region"() ({
      %run_scoped3A = tpu.sem_alloc : memref<!tpu.dma_semaphore, #tpu.memory_space<semaphore_mem>>
      %dma_start3A = arith.constant 0 : i32
      %dma_start3A_15 = arith.constant 0 : i32
      %dma_start3A_16 = tpu.memref_slice %arg3[%add3A, %dma_start3A, %dma_start3A_15] : memref<32x100x100xi32, #tpu.memory_space<hbm>> -> memref<1x100x100xi32, #tpu.memory_space<hbm>>
      %dma_start3A_17 = tpu.memref_squeeze %dma_start3A_16 : memref<1x100x100xi32, #tpu.memory_space<hbm>> -> memref<100x100xi32, #tpu.memory_space<hbm>>
      %dma_start3A_18 = arith.constant 0 : i32
      %dma_start3A_19 = arith.constant 0 : i32
      %dma_start3A_20 = tpu.memref_slice %arg3[%add3A, %dma_start3A_18, %dma_start3A_19] : memref<32x100x100xi32, #tpu.memory_space<hbm>> -> memref<1x100x100xi32, #tpu.memory_space<hbm>>
      %dma_start3A_21 = tpu.memref_squeeze %dma_start3A_20 : memref<1x100x100xi32, #tpu.memory_space<hbm>> -> memref<100x100xi32, #tpu.memory_space<hbm>>
      tpu.enqueue_dma source(%dma_start3A_21 : memref<100x100xi32, #tpu.memory_space<hbm>>) target(%arg7 : memref<100x100xi32, #tpu.memory_space<vmem>>) target_semaphore(%run_scoped3A : memref<!tpu.dma_semaphore, #tpu.memory_space<semaphore_mem>>)
      %dma_wait3A = arith.constant 0 : i32
      %dma_wait3A_22 = arith.constant 0 : i32
      %dma_wait3A_23 = tpu.memref_slice %arg3[%add3A, %dma_wait3A, %dma_wait3A_22] : memref<32x100x100xi32, #tpu.memory_space<hbm>> -> memref<1x100x100xi32, #tpu.memory_space<hbm>>
      %dma_wait3A_24 = tpu.memref_squeeze %dma_wait3A_23 : memref<1x100x100xi32, #tpu.memory_space<hbm>> -> memref<100x100xi32, #tpu.memory_space<hbm>>
      %dma_wait3A_25 = arith.constant 0 : i32
      %dma_wait3A_26 = arith.constant 0 : i32
      %dma_wait3A_27 = tpu.memref_slice %arg3[%add3A, %dma_wait3A_25, %dma_wait3A_26] : memref<32x100x100xi32, #tpu.memory_space<hbm>> -> memref<1x100x100xi32, #tpu.memory_space<hbm>>
      %dma_wait3A_28 = tpu.memref_squeeze %dma_wait3A_27 : memref<1x100x100xi32, #tpu.memory_space<hbm>> -> memref<100x100xi32, #tpu.memory_space<hbm>>
      tpu.wait_dma2 semaphore(%run_scoped3A : memref<!tpu.dma_semaphore, #tpu.memory_space<semaphore_mem>>) src(%dma_wait3A_28 : memref<100x100xi32, #tpu.memory_space<hbm>>) dst(%arg7 : memref<100x100xi32, #tpu.memory_space<vmem>>)
      tpu.yield
    }) : () -> ()
    "tpu.region"() ({
      %run_scoped3A = tpu.sem_alloc : memref<!tpu.dma_semaphore, #tpu.memory_space<semaphore_mem>>
      %dma_start3A = arith.constant 0 : i32
      %dma_start3A_15 = arith.constant 0 : i32
      %dma_start3A_16 = tpu.memref_slice %arg4[%add3A, %dma_start3A, %dma_start3A_15] : memref<32x100x100xi32, #tpu.memory_space<hbm>> -> memref<1x100x100xi32, #tpu.memory_space<hbm>>
      %dma_start3A_17 = tpu.memref_squeeze %dma_start3A_16 : memref<1x100x100xi32, #tpu.memory_space<hbm>> -> memref<100x100xi32, #tpu.memory_space<hbm>>
      %dma_start3A_18 = arith.constant 0 : i32
      %dma_start3A_19 = arith.constant 0 : i32
      %dma_start3A_20 = tpu.memref_slice %arg4[%add3A, %dma_start3A_18, %dma_start3A_19] : memref<32x100x100xi32, #tpu.memory_space<hbm>> -> memref<1x100x100xi32, #tpu.memory_space<hbm>>
      %dma_start3A_21 = tpu.memref_squeeze %dma_start3A_20 : memref<1x100x100xi32, #tpu.memory_space<hbm>> -> memref<100x100xi32, #tpu.memory_space<hbm>>
      tpu.enqueue_dma source(%dma_start3A_21 : memref<100x100xi32, #tpu.memory_space<hbm>>) target(%arg8 : memref<100x100xi32, #tpu.memory_space<vmem>>) target_semaphore(%run_scoped3A : memref<!tpu.dma_semaphore, #tpu.memory_space<semaphore_mem>>)
      %dma_wait3A = arith.constant 0 : i32
      %dma_wait3A_22 = arith.constant 0 : i32
      %dma_wait3A_23 = tpu.memref_slice %arg4[%add3A, %dma_wait3A, %dma_wait3A_22] : memref<32x100x100xi32, #tpu.memory_space<hbm>> -> memref<1x100x100xi32, #tpu.memory_space<hbm>>
      %dma_wait3A_24 = tpu.memref_squeeze %dma_wait3A_23 : memref<1x100x100xi32, #tpu.memory_space<hbm>> -> memref<100x100xi32, #tpu.memory_space<hbm>>
      %dma_wait3A_25 = arith.constant 0 : i32
      %dma_wait3A_26 = arith.constant 0 : i32
      %dma_wait3A_27 = tpu.memref_slice %arg4[%add3A, %dma_wait3A_25, %dma_wait3A_26] : memref<32x100x100xi32, #tpu.memory_space<hbm>> -> memref<1x100x100xi32, #tpu.memory_space<hbm>>
      %dma_wait3A_28 = tpu.memref_squeeze %dma_wait3A_27 : memref<1x100x100xi32, #tpu.memory_space<hbm>> -> memref<100x100xi32, #tpu.memory_space<hbm>>
      tpu.wait_dma2 semaphore(%run_scoped3A : memref<!tpu.dma_semaphore, #tpu.memory_space<semaphore_mem>>) src(%dma_wait3A_28 : memref<100x100xi32, #tpu.memory_space<hbm>>) dst(%arg8 : memref<100x100xi32, #tpu.memory_space<vmem>>)
      tpu.yield
    }) : () -> ()
    %barrier3A = arith.constant 0 : index
    tpu.barrier barrier_id(%barrier3A)
    %scan3A = arith.constant 0 : i32
    %scan3A_5 = arith.constant 0 : i32
    %scan3A_6 = arith.constant 100 : i32
    %scan3A_7 = arith.addi %scan3A_5, %scan3A_6 : i32
    %scan3A_8 = arith.constant 1 : i32
    scf.for %scan3A_15 = %scan3A_5 to %scan3A_7 step %scan3A_8  : i32 {
      %dma_start3A = arith.constant 0 : i32
      %dma_start3A_16 = tpu.memref_slice %arg7[%scan3A_15, %dma_start3A] : memref<100x100xi32, #tpu.memory_space<vmem>> -> memref<1x100xi32, #tpu.memory_space<vmem>>
      %dma_start3A_17 = tpu.memref_squeeze %dma_start3A_16 : memref<1x100xi32, #tpu.memory_space<vmem>> -> memref<100xi32, #tpu.memory_space<vmem>>
      %dma_start3A_18 = arith.constant 0 : i32
      %dma_start3A_19 = arith.constant 0 : i32
      %dma_start3A_20 = tpu.memref_slice %arg2[%dma_start3A_18, %dma_start3A_19] : memref<10000x128xf32, #tpu.memory_space<hbm>> -> memref<10000x128xf32, #tpu.memory_space<hbm>>
      tpu.enqueue_indirect_dma source(%dma_start3A_20 : memref<10000x128xf32, #tpu.memory_space<hbm>>) target(%arg9 : memref<100x128xf32, #tpu.memory_space<vmem>>) offsets(%dma_start3A_17 : memref<100xi32, #tpu.memory_space<vmem>>) semaphore(%arg11 : memref<!tpu.dma_semaphore, #tpu.memory_space<semaphore_mem>>)
      %dma_wait3A = arith.constant 0 : i32
      %dma_wait3A_21 = tpu.memref_slice %arg7[%scan3A_15, %dma_wait3A] : memref<100x100xi32, #tpu.memory_space<vmem>> -> memref<1x100xi32, #tpu.memory_space<vmem>>
      %dma_wait3A_22 = tpu.memref_squeeze %dma_wait3A_21 : memref<1x100xi32, #tpu.memory_space<vmem>> -> memref<100xi32, #tpu.memory_space<vmem>>
      %dma_wait3A_23 = arith.constant 0 : i32
      %dma_wait3A_24 = arith.constant 0 : i32
      %dma_wait3A_25 = tpu.memref_slice %arg2[%dma_wait3A_23, %dma_wait3A_24] : memref<10000x128xf32, #tpu.memory_space<hbm>> -> memref<10000x128xf32, #tpu.memory_space<hbm>>
      tpu.wait_indirect_dma semaphore(%arg11 : memref<!tpu.dma_semaphore, #tpu.memory_space<semaphore_mem>>) src(%dma_wait3A_25 : memref<10000x128xf32, #tpu.memory_space<hbm>>) dst(%arg9 : memref<100x128xf32, #tpu.memory_space<vmem>>)
      "tpu.region"() ({
        %run_scoped3A = tpu.sem_alloc : memref<!tpu.dma_semaphore, #tpu.memory_space<semaphore_mem>>
        %dma_start3A_26 = arith.constant 0 : i32
        %dma_start3A_27 = tpu.memref_slice %arg8[%scan3A_15, %dma_start3A_26] : memref<100x100xi32, #tpu.memory_space<vmem>> -> memref<1x100xi32, #tpu.memory_space<vmem>>
        %dma_start3A_28 = tpu.memref_squeeze %dma_start3A_27 : memref<1x100xi32, #tpu.memory_space<vmem>> -> memref<100xi32, #tpu.memory_space<vmem>>
        %dma_start3A_29 = arith.constant 0 : i32
        %dma_start3A_30 = arith.constant 0 : i32
        %dma_start3A_31 = tpu.memref_slice %arg10[%dma_start3A_29, %dma_start3A_30] : memref<10112x128xf32, #tpu.memory_space<vmem_shared>> -> memref<10112x128xf32, #tpu.memory_space<vmem_shared>>
        tpu.enqueue_indirect_dma source(%arg9 : memref<100x128xf32, #tpu.memory_space<vmem>>) target(%dma_start3A_31 : memref<10112x128xf32, #tpu.memory_space<vmem_shared>>) offsets(%dma_start3A_28 : memref<100xi32, #tpu.memory_space<vmem>>) semaphore(%run_scoped3A : memref<!tpu.dma_semaphore, #tpu.memory_space<semaphore_mem>>) {add = true}
        %dma_wait3A_32 = arith.constant 0 : i32
        %dma_wait3A_33 = tpu.memref_slice %arg8[%scan3A_15, %dma_wait3A_32] : memref<100x100xi32, #tpu.memory_space<vmem>> -> memref<1x100xi32, #tpu.memory_space<vmem>>
        %dma_wait3A_34 = tpu.memref_squeeze %dma_wait3A_33 : memref<1x100xi32, #tpu.memory_space<vmem>> -> memref<100xi32, #tpu.memory_space<vmem>>
        %dma_wait3A_35 = arith.constant 0 : i32
        %dma_wait3A_36 = arith.constant 0 : i32
        %dma_wait3A_37 = tpu.memref_slice %arg10[%dma_wait3A_35, %dma_wait3A_36] : memref<10112x128xf32, #tpu.memory_space<vmem_shared>> -> memref<10112x128xf32, #tpu.memory_space<vmem_shared>>
        tpu.wait_indirect_dma semaphore(%run_scoped3A : memref<!tpu.dma_semaphore, #tpu.memory_space<semaphore_mem>>) src(%arg9 : memref<100x128xf32, #tpu.memory_space<vmem>>) dst(%dma_wait3A_37 : memref<10112x128xf32, #tpu.memory_space<vmem_shared>>)
        tpu.yield
      }) : () -> ()
    }
    %scan3A_9 = arith.constant 100 : i32
    %barrier3A_10 = arith.constant 0 : index
    tpu.barrier barrier_id(%barrier3A_10)
    %mul3A_11 = arith.constant 632 : i32
    %mul3A_12 = arith.muli %arg1, %mul3A_11 : i32
    %mul3A_13 = arith.constant 632 : i32
    %mul3A_14 = arith.muli %arg1, %mul3A_13 : i32
    "tpu.region"() ({
      %run_scoped3A = tpu.sem_alloc : memref<!tpu.dma_semaphore, #tpu.memory_space<semaphore_mem>>
      %dma_start3A = arith.constant 0 : i32
      %dma_start3A_15 = arith.constant 0 : i32
      %dma_start3A_16 = tpu.memref_slice %arg6[%arg0, %dma_start3A, %dma_start3A_15] : memref<2x10112x128xf32, #tpu.memory_space<hbm>> -> memref<1x10112x128xf32, #tpu.memory_space<hbm>>
      %dma_start3A_17 = tpu.memref_squeeze %dma_start3A_16 : memref<1x10112x128xf32, #tpu.memory_space<hbm>> -> memref<10112x128xf32, #tpu.memory_space<hbm>>
      %dma_start3A_18 = arith.constant 0 : i32
      %dma_start3A_19 = tpu.memref_slice %dma_start3A_17[%mul3A_14, %dma_start3A_18] : memref<10112x128xf32, #tpu.memory_space<hbm>> -> memref<632x128xf32, #tpu.memory_space<hbm>>
      %dma_start3A_20 = arith.constant 0 : i32
      %dma_start3A_21 = tpu.memref_slice %arg10[%mul3A_12, %dma_start3A_20] : memref<10112x128xf32, #tpu.memory_space<vmem_shared>> -> memref<632x128xf32, #tpu.memory_space<vmem_shared>>
      tpu.enqueue_dma source(%dma_start3A_21 : memref<632x128xf32, #tpu.memory_space<vmem_shared>>) target(%dma_start3A_19 : memref<632x128xf32, #tpu.memory_space<hbm>>) target_semaphore(%run_scoped3A : memref<!tpu.dma_semaphore, #tpu.memory_space<semaphore_mem>>)
      %dma_wait3A = arith.constant 0 : i32
      %dma_wait3A_22 = arith.constant 0 : i32
      %dma_wait3A_23 = tpu.memref_slice %arg6[%arg0, %dma_wait3A, %dma_wait3A_22] : memref<2x10112x128xf32, #tpu.memory_space<hbm>> -> memref<1x10112x128xf32, #tpu.memory_space<hbm>>
      %dma_wait3A_24 = tpu.memref_squeeze %dma_wait3A_23 : memref<1x10112x128xf32, #tpu.memory_space<hbm>> -> memref<10112x128xf32, #tpu.memory_space<hbm>>
      %dma_wait3A_25 = arith.constant 0 : i32
      %dma_wait3A_26 = tpu.memref_slice %dma_wait3A_24[%mul3A_14, %dma_wait3A_25] : memref<10112x128xf32, #tpu.memory_space<hbm>> -> memref<632x128xf32, #tpu.memory_space<hbm>>
      %dma_wait3A_27 = arith.constant 0 : i32
      %dma_wait3A_28 = tpu.memref_slice %arg10[%mul3A_12, %dma_wait3A_27] : memref<10112x128xf32, #tpu.memory_space<vmem_shared>> -> memref<632x128xf32, #tpu.memory_space<vmem_shared>>
      tpu.wait_dma2 semaphore(%run_scoped3A : memref<!tpu.dma_semaphore, #tpu.memory_space<semaphore_mem>>) src(%dma_wait3A_28 : memref<632x128xf32, #tpu.memory_space<vmem_shared>>) dst(%dma_wait3A_26 : memref<632x128xf32, #tpu.memory_space<hbm>>)
      tpu.yield
    }) : () -> ()
    return
  }
}

module attributes {stable_mosaic.version = 14 : i64} {
  func.func @_y1_body(%arg0: memref<10000x128xf32, #tpu.memory_space<vmem>>, %arg1: memref<128x128xf32, #tpu.memory_space<vmem>>, %arg2: memref<10000x128xf32, #tpu.memory_space<vmem>>, %arg3: memref<10000x128xf32, #tpu.memory_space<vmem>>, %arg4: memref<10000x128xf32, #tpu.memory_space<vmem>>) attributes {dimension_semantics = [], scalar_prefetch = 0 : i64, scratch_operands = 0 : i64, tpu.core_type = #tpu.core_type<tc>} {
    %get3A = arith.constant 0 : index
    %get3A_0 = arith.constant 0 : index
    %get3A_1 = vector.load %arg2[%get3A, %get3A_0] : memref<10000x128xf32, #tpu.memory_space<vmem>>, vector<10000x1xf32>
    %get3A_2 = arith.constant 0 : index
    %get3A_3 = arith.constant 0 : index
    %get3A_4 = vector.load %arg3[%get3A_2, %get3A_3] : memref<10000x128xf32, #tpu.memory_space<vmem>>, vector<10000x1xf32>
    %add3A = arith.addf %get3A_1, %get3A_4 : vector<10000x1xf32>
    %add3A_5 = arith.constant 1.000000e+00 : f32
    %add3A_6 = vector.broadcast %add3A_5 : f32 to vector<10000x1xf32>
    %add3A_7 = arith.addf %add3A, %add3A_6 : vector<10000x1xf32>
    %rsqrt3A = math.rsqrt %add3A_7 : vector<10000x1xf32>
    %get3A_8 = arith.constant 0 : index
    %get3A_9 = arith.constant 0 : index
    %get3A_10 = vector.load %arg0[%get3A_8, %get3A_9] : memref<10000x128xf32, #tpu.memory_space<vmem>>, vector<10000x128xf32>
    %get3A_11 = arith.constant 0 : index
    %get3A_12 = arith.constant 0 : index
    %get3A_13 = vector.load %arg1[%get3A_11, %get3A_12] : memref<128x128xf32, #tpu.memory_space<vmem>>, vector<128x128xf32>
    %dot_general3A = arith.constant dense<0.000000e+00> : vector<10000x128xf32>
    %dot_general3A_14 = tpu.matmul %get3A_10, %get3A_13, %dot_general3A {dimension_numbers = #tpu.dot_dimension_numbers<[1], [0], [0], [1], [0, 0, 1, 1], [], []>, transpose_lhs_hint = false} : vector<10000x128xf32>, vector<128x128xf32>, vector<10000x128xf32> -> vector<10000x128xf32>
    %mul3A = vector.broadcast %rsqrt3A : vector<10000x1xf32> to vector<10000x128xf32>
    %mul3A_15 = arith.mulf %dot_general3A_14, %mul3A : vector<10000x128xf32>
    %swap3A = arith.constant 0 : index
    %swap3A_16 = arith.constant 0 : index
    %swap3A_17 = vector.load %arg4[%swap3A, %swap3A_16] : memref<10000x128xf32, #tpu.memory_space<vmem>>, vector<10000x128xf32>
    tpu.vector_store %arg4[%swap3A, %swap3A_16], %mul3A_15 {strides = array<i32>} : memref<10000x128xf32, #tpu.memory_space<vmem>>, vector<10000x128xf32>,
    return
  }
}

module attributes {stable_mosaic.version = 14 : i64} {
  func.func @_h1y2_body(%arg0: memref<10000x128xf32, #tpu.memory_space<vmem>>, %arg1: memref<10000x128xf32, #tpu.memory_space<vmem>>, %arg2: memref<10000x128xf32, #tpu.memory_space<vmem>>, %arg3: memref<10000x128xf32, #tpu.memory_space<vmem>>, %arg4: memref<10000x128xf32, #tpu.memory_space<vmem>>, %arg5: memref<64x128xf32, #tpu.memory_space<vmem>>, %arg6: memref<1x64xf32, #tpu.memory_space<vmem>>, %arg7: memref<10000x128xf32, #tpu.memory_space<vmem>>) attributes {dimension_semantics = [], scalar_prefetch = 0 : i64, scratch_operands = 0 : i64, tpu.core_type = #tpu.core_type<tc>} {
    %get3A = arith.constant 0 : index
    %get3A_0 = arith.constant 0 : index
    %get3A_1 = vector.load %arg3[%get3A, %get3A_0] : memref<10000x128xf32, #tpu.memory_space<vmem>>, vector<10000x1xf32>
    %get3A_2 = arith.constant 0 : index
    %get3A_3 = arith.constant 0 : index
    %get3A_4 = vector.load %arg4[%get3A_2, %get3A_3] : memref<10000x128xf32, #tpu.memory_space<vmem>>, vector<10000x1xf32>
    %add3A = arith.addf %get3A_1, %get3A_4 : vector<10000x1xf32>
    %add3A_5 = arith.constant 1.000000e+00 : f32
    %add3A_6 = vector.broadcast %add3A_5 : f32 to vector<10000x1xf32>
    %add3A_7 = arith.addf %add3A, %add3A_6 : vector<10000x1xf32>
    %rsqrt3A = math.rsqrt %add3A_7 : vector<10000x1xf32>
    %get3A_8 = arith.constant 0 : index
    %get3A_9 = arith.constant 0 : index
    %get3A_10 = vector.load %arg0[%get3A_8, %get3A_9] : memref<10000x128xf32, #tpu.memory_space<vmem>>, vector<10000x128xf32>
    %get3A_11 = arith.constant 0 : index
    %get3A_12 = arith.constant 0 : index
    %get3A_13 = vector.load %arg1[%get3A_11, %get3A_12] : memref<10000x128xf32, #tpu.memory_space<vmem>>, vector<10000x128xf32>
    %add3A_14 = arith.addf %get3A_10, %get3A_13 : vector<10000x128xf32>
    %get3A_15 = arith.constant 0 : index
    %get3A_16 = arith.constant 0 : index
    %get3A_17 = vector.load %arg2[%get3A_15, %get3A_16] : memref<10000x128xf32, #tpu.memory_space<vmem>>, vector<10000x128xf32>
    %add3A_18 = arith.addf %add3A_14, %get3A_17 : vector<10000x128xf32>
    %mul3A = vector.broadcast %rsqrt3A : vector<10000x1xf32> to vector<10000x128xf32>
    %mul3A_19 = arith.mulf %add3A_18, %mul3A : vector<10000x128xf32>
    %slice3A = vector.extract_strided_slice %mul3A_19 {offsets = [0, 0], sizes = [10000, 64], strides = [1, 1]} : vector<10000x128xf32> to vector<10000x64xf32>
    %get3A_20 = arith.constant 0 : index
    %get3A_21 = arith.constant 0 : index
    %get3A_22 = vector.load %arg6[%get3A_20, %get3A_21] : memref<1x64xf32, #tpu.memory_space<vmem>>, vector<1x64xf32>
    %add3A_23 = vector.broadcast %get3A_22 : vector<1x64xf32> to vector<10000x64xf32>
    %add3A_24 = arith.addf %slice3A, %add3A_23 : vector<10000x64xf32>
    %max3A = arith.constant 0.000000e+00 : f32
    %max3A_25 = vector.broadcast %max3A : f32 to vector<10000x64xf32>
    %max3A_26 = arith.maximumf %add3A_24, %max3A_25 : vector<10000x64xf32>
    %get3A_27 = arith.constant 0 : index
    %get3A_28 = arith.constant 0 : index
    %get3A_29 = vector.load %arg5[%get3A_27, %get3A_28] : memref<64x128xf32, #tpu.memory_space<vmem>>, vector<64x128xf32>
    %dot_general3A = arith.constant dense<0.000000e+00> : vector<10000x128xf32>
    %dot_general3A_30 = tpu.matmul %max3A_26, %get3A_29, %dot_general3A {dimension_numbers = #tpu.dot_dimension_numbers<[1], [0], [0], [1], [0, 0, 1, 1], [], []>, transpose_lhs_hint = false} : vector<10000x64xf32>, vector<64x128xf32>, vector<10000x128xf32> -> vector<10000x128xf32>
    %mul3A_31 = vector.broadcast %rsqrt3A : vector<10000x1xf32> to vector<10000x128xf32>
    %mul3A_32 = arith.mulf %dot_general3A_30, %mul3A_31 : vector<10000x128xf32>
    %swap3A = arith.constant 0 : index
    %swap3A_33 = arith.constant 0 : index
    %swap3A_34 = vector.load %arg7[%swap3A, %swap3A_33] : memref<10000x128xf32, #tpu.memory_space<vmem>>, vector<10000x128xf32>
    tpu.vector_store %arg7[%swap3A, %swap3A_33], %mul3A_32 {strides = array<i32>} : memref<10000x128xf32, #tpu.memory_space<vmem>>, vector<10000x128xf32>,
    return
  }
}

module attributes {stable_mosaic.version = 14 : i64} {
  func.func @_final_body(%arg0: memref<10000x128xf32, #tpu.memory_space<vmem>>, %arg1: memref<10000x128xf32, #tpu.memory_space<vmem>>, %arg2: memref<10000x128xf32, #tpu.memory_space<vmem>>, %arg3: memref<10000x128xf32, #tpu.memory_space<vmem>>, %arg4: memref<10000x128xf32, #tpu.memory_space<vmem>>, %arg5: memref<1x128xf32, #tpu.memory_space<vmem>>, %arg6: memref<1x10000xi32, #tpu.memory_space<vmem>>, %arg7: memref<128x128xf32, #tpu.memory_space<vmem>>, %arg8: memref<1x128xf32, #tpu.memory_space<vmem>>, %arg9: memref<256x128xf32, #tpu.memory_space<vmem>>) attributes {dimension_semantics = [], scalar_prefetch = 0 : i64, scratch_operands = 0 : i64, tpu.core_type = #tpu.core_type<tc>} {
    %get3A = arith.constant 0 : index
    %get3A_0 = arith.constant 0 : index
    %get3A_1 = vector.load %arg3[%get3A, %get3A_0] : memref<10000x128xf32, #tpu.memory_space<vmem>>, vector<10000x1xf32>
    %get3A_2 = arith.constant 0 : index
    %get3A_3 = arith.constant 0 : index
    %get3A_4 = vector.load %arg4[%get3A_2, %get3A_3] : memref<10000x128xf32, #tpu.memory_space<vmem>>, vector<10000x1xf32>
    %add3A = arith.addf %get3A_1, %get3A_4 : vector<10000x1xf32>
    %add3A_5 = arith.constant 1.000000e+00 : f32
    %add3A_6 = vector.broadcast %add3A_5 : f32 to vector<10000x1xf32>
    %add3A_7 = arith.addf %add3A, %add3A_6 : vector<10000x1xf32>
    %rsqrt3A = math.rsqrt %add3A_7 : vector<10000x1xf32>
    %get3A_8 = arith.constant 0 : index
    %get3A_9 = arith.constant 0 : index
    %get3A_10 = vector.load %arg0[%get3A_8, %get3A_9] : memref<10000x128xf32, #tpu.memory_space<vmem>>, vector<10000x128xf32>
    %get3A_11 = arith.constant 0 : index
    %get3A_12 = arith.constant 0 : index
    %get3A_13 = vector.load %arg1[%get3A_11, %get3A_12] : memref<10000x128xf32, #tpu.memory_space<vmem>>, vector<10000x128xf32>
    %add3A_14 = arith.addf %get3A_10, %get3A_13 : vector<10000x128xf32>
    %get3A_15 = arith.constant 0 : index
    %get3A_16 = arith.constant 0 : index
    %get3A_17 = vector.load %arg2[%get3A_15, %get3A_16] : memref<10000x128xf32, #tpu.memory_space<vmem>>, vector<10000x128xf32>
    %add3A_18 = arith.addf %add3A_14, %get3A_17 : vector<10000x128xf32>
    %mul3A = vector.broadcast %rsqrt3A : vector<10000x1xf32> to vector<10000x128xf32>
    %mul3A_19 = arith.mulf %add3A_18, %mul3A : vector<10000x128xf32>
    %get3A_20 = arith.constant 0 : index
    %get3A_21 = arith.constant 0 : index
    %get3A_22 = vector.load %arg5[%get3A_20, %get3A_21] : memref<1x128xf32, #tpu.memory_space<vmem>>, vector<1x128xf32>
    %add3A_23 = vector.broadcast %get3A_22 : vector<1x128xf32> to vector<10000x128xf32>
    %add3A_24 = arith.addf %mul3A_19, %add3A_23 : vector<10000x128xf32>
    %max3A = arith.constant 0.000000e+00 : f32
    %max3A_25 = vector.broadcast %max3A : f32 to vector<10000x128xf32>
    %max3A_26 = arith.maximumf %add3A_24, %max3A_25 : vector<10000x128xf32>
    %iota3A = tpu.iota {dimensions = array<i32: 0>} : vector<256x10000xi32>
    %get3A_27 = arith.constant 0 : index
    %get3A_28 = arith.constant 0 : index
    %get3A_29 = vector.load %arg6[%get3A_27, %get3A_28] : memref<1x10000xi32, #tpu.memory_space<vmem>>, vector<1x10000xi32>
    %eq3A = vector.broadcast %get3A_29 : vector<1x10000xi32> to vector<256x10000xi32>
    %eq3A_30 = arith.cmpi eq, %eq3A, %iota3A : vector<256x10000xi32>
    %convert_element_type3A = arith.extui %eq3A_30 : vector<256x10000xi1> to vector<256x10000xi32>
    %convert_element_type3A_31 = arith.sitofp %convert_element_type3A : vector<256x10000xi32> to vector<256x10000xf32>
    %dot_general3A = arith.constant dense<0.000000e+00> : vector<256x128xf32>
    %dot_general3A_32 = tpu.matmul %convert_element_type3A_31, %max3A_26, %dot_general3A {dimension_numbers = #tpu.dot_dimension_numbers<[1], [0], [0], [1], [0, 0, 1, 1], [], []>, transpose_lhs_hint = false} : vector<256x10000xf32>, vector<10000x128xf32>, vector<256x128xf32> -> vector<256x128xf32>
    %reduce_sum3A = arith.constant dense<0.000000e+00> : vector<256xf32>
    %reduce_sum3A_33 = vector.multi_reduction <add>, %convert_element_type3A_31, %reduce_sum3A [1] : vector<256x10000xf32> to vector<256xf32>
    %broadcast_in_dim3A = vector.shape_cast %reduce_sum3A_33 : vector<256xf32> to vector<256x1xf32>
    %max3A_34 = arith.constant 1.000000e+00 : f32
    %max3A_35 = vector.broadcast %max3A_34 : f32 to vector<256x1xf32>
    %max3A_36 = arith.maximumf %broadcast_in_dim3A, %max3A_35 : vector<256x1xf32>
    %div3A = vector.broadcast %max3A_36 : vector<256x1xf32> to vector<256x128xf32>
    %div3A_37 = arith.divf %dot_general3A_32, %div3A : vector<256x128xf32>
    %get3A_38 = arith.constant 0 : index
    %get3A_39 = arith.constant 0 : index
    %get3A_40 = vector.load %arg7[%get3A_38, %get3A_39] : memref<128x128xf32, #tpu.memory_space<vmem>>, vector<128x128xf32>
    %dot_general3A_41 = arith.constant dense<0.000000e+00> : vector<256x128xf32>
    %dot_general3A_42 = tpu.matmul %div3A_37, %get3A_40, %dot_general3A_41 {dimension_numbers = #tpu.dot_dimension_numbers<[1], [0], [0], [1], [0, 0, 1, 1], [], []>, transpose_lhs_hint = false} : vector<256x128xf32>, vector<128x128xf32>, vector<256x128xf32> -> vector<256x128xf32>
    %get3A_43 = arith.constant 0 : index
    %get3A_44 = arith.constant 0 : index
    %get3A_45 = vector.load %arg8[%get3A_43, %get3A_44] : memref<1x128xf32, #tpu.memory_space<vmem>>, vector<1x128xf32>
    %add3A_46 = vector.broadcast %get3A_45 : vector<1x128xf32> to vector<256x128xf32>
    %add3A_47 = arith.addf %dot_general3A_42, %add3A_46 : vector<256x128xf32>
    %swap3A = arith.constant 0 : index
    %swap3A_48 = arith.constant 0 : index
    %swap3A_49 = vector.load %arg9[%swap3A, %swap3A_48] : memref<256x128xf32, #tpu.memory_space<vmem>>, vector<256x128xf32>
    tpu.vector_store %arg9[%swap3A, %swap3A_48], %add3A_47 {strides = array<i32>} : memref<256x128xf32, #tpu.memory_space<vmem>>, vector<256x128xf32>,
    return
  }
}

</mosaic_0001>

<sc_bundles>
// kernel: kernel.11.cloned.1.call-start
scs
__scs_entry_jumppad:
0x0: {  	(pc) =	sbr.rel $0x88, $3  }
0x1: {  	(tag) =	ssettag $0x0;
	lr =	simm.s32 $0x1  }
0x2: {  	[smem:$0x3F98] =	sst lr;
	_ =	strace $0xD0000000  }
0x3: {  	_ = 	snop  }
0x4: {  	_ = 	snop  }
0x5: {  	_ = 	snop  }
0x6: {  	_ = 	snop  }
0x7: {  	_ = 	snop  }
__scs_overlays_trampoline_lowered:
0x8: {  	[smem:$0x3FA7] =	sst s0  }
0x9: {  	[smem:$0x3FA8] =	sst s1  }
0xa: {  	[smem:$0x3FA9] =	sst s2  }
0xb: {  	[smem:$0x3FAA] =	sst s3  }
0xc: {  	[smem:$0x3FAB] =	sst s4  }
0xd: {  	[smem:$0x3FAC] =	sst s5  }
0xe: {  	[smem:$0x3FAD] =	sst s6  }
0xf: {  	[smem:$0x3FAE] =	sst s7  }
0x10: {  	[smem:$0x3FAF] =	sst s8  }
0x11: {  	[smem:$0x3FB0] =	sst s9;
	s0 =	simm.s32 @!p0 $0x0  }
0x12: {  	s1 =	sld [smem:$0x3F96];
	s0 =	simm.s32 @p0 $0x1  }
0x13: {  	[smem:$0x3FB1] =	sst s0;
	s0 =	simm.s32 @!p1 $0x0  }
0x14: {  	s2 =	sld [smem:$0x3F95];
	s0 =	simm.s32 @p1 $0x1  }
0x15: {  	[smem:$0x3FB2] =	sst s0;
	s0 =	simm.s32 @!p2 $0x0  }
0x16: {  	s3 =	sld [smem:$0x3FDB];
	s0 =	simm.s32 @p2 $0x1  }
0x17: {  	s4 =	simm.s32 $0x1BF5;
	[smem:$0x3FB4] =	sst s0  }
0x18: {  	s0 =	sld [smem:$0x3F97];
	_ =	swait.ge [sflag:s4], $0x0  }
0x19: {  	s7 =	sld [smem:$0x3F98]  }
0x1a: {  	s8 =	sadd.s32 $0xFFFFE003, lr  }
0x1b: {  	s9 =	sadd.s32 $0xFFFFFEF7, lr;
	s5 =	simm.s32 $0xFFFFFFFF;
	p2 =	slt.u32 s8, $0xFFFFF086  }
0x1c: {  	p1 =	slt.u32 s9, $0xF7A;
	s5 =	simm.s32 @!p2 $0x0  }
0x1d: {  	s5 =	simm.s32 @p1 $0x1;
	p0 =	seq.s32 s7, s2  }
0x1e: {  	s7 =	smul.u32 @!p0 $0xF7A, s2;
	p2 =	seq.s32 @!p0 s5, $0x0  }
0x1f: {  	s9 =	smul.u32 $0xF7A, s1;
	s8 =	simm.s32 @!p0 $0x1BF5;
	p2 =	por !p2, p0  }
0x20: {  	[sflag:s8] =	ssyncset.s32 @!p0 $0xFFFFF086;
	s6 =	sadd.s32 @!p0 s3, s7;
	s7 =	simm.s32 @!p0 $0x108  }
0x21: {  	s3 =	sadd.s32 s3, s9;
	s6 =	sadd.s32 @!p0 $0x88, s6;
	s7 =	simm.s32 @p2 $0x1082  }
0x22: {  	[simem:s7], [sflag:s8] =	dma.local @!p0 [hbm:s6], $0xF7A  }
0x23: {  	s9 =	sor.u32 $0xD0000000, s2;
	s6 =	simm.s32 $0x108;
	_ =	swait.ge @!p0 [sflag:s8], $0x0  }
0x24: {  	s3 =	sadd.s32 $0x88, s3;
	s6 =	simm.s32 @!p1 $0x1082;
	[sflag:s4] =	ssyncset.s32 $0xFFFFF086  }
0x25: {  	[simem:s6], [sflag:s4] =	dma.local [hbm:s3], $0xF7A  }
0x26: {  	[smem:$0x3F98] =	sst s1;
	(tag) =	ssettag s2;
	_ =	strace s9  }
0x27: {  	s1 =	sld [smem:$0x3FA8]  }
0x28: {  	s2 =	sld [smem:$0x3FA9]  }
0x29: {  	s4 =	sld [smem:$0x3FAB]  }
0x2a: {  	p0 =	seq.s32 s5, $0x0;
	s5 =	sld [smem:$0x3FAC]  }
0x2b: {  	s6 =	sld [smem:$0x3FAD]  }
0x2c: {  	s7 =	sld [smem:$0x3FAE]  }
0x2d: {  	s3 =	simm.s32 $0x108;
	s8 =	sld [smem:$0x3FAF]  }
0x2e: {  	s3 =	simm.s32 @!p0 $0x1082;
	s9 =	sld [smem:$0x3FB0]  }
0x2f: {  	lr =	sadd.s32 s0, s3;
	s0 =	sld [smem:$0x3FA7]  }
0x30: {  	s3 =	sld [smem:$0x3FAA]  }
0x31: {  	[smem:$0x3FB3] =	sst s10  }
0x32: {  	s10 =	sld [smem:$0x3FB1];
	_ =	sdelay $0x3  }
0x33: {  	p0 =	seq.s32 s10, $0x1;
	s10 =	sld [smem:$0x3FB3];
	_ =	sdelay $0x3  }
0x34: {  	[smem:$0x3FB3] =	sst s10  }
0x35: {  	s10 =	sld [smem:$0x3FB2];
	_ =	sdelay $0x3  }
0x36: {  	p1 =	seq.s32 s10, $0x1;
	s10 =	sld [smem:$0x3FB3];
	_ =	sdelay $0x3  }
0x37: {  	[smem:$0x3FB3] =	sst s10  }
0x38: {  	s10 =	sld [smem:$0x3FB4]  }
0x39: {  	_ = 	snop;
	(pc) =	sbr.ind lr, $3  }
0x3a: {  	_ = 	snop  }
0x3b: {  	_ = 	snop  }
0x3c: {  	p2 =	seq.s32 s10, $0x1;
	s10 =	sld [smem:$0x3FB3]  }
0x3d: {  	_ =	shalt  }
0x3e: {  	_ =	shalt  }
0x3f: {  	_ =	shalt  }
0x40: {  	_ =	shalt  }
0x41: {  	_ =	shalt  }
0x42: {  	_ =	shalt  }
0x43: {  	_ =	shalt  }
0x44: {  	_ =	shalt  }
0x45: {  	_ =	shalt  }
0x46: {  	_ =	shalt  }
0x47: {  	_ =	shalt  }
0x48: {  	_ =	shalt  }
0x49: {  	_ =	shalt  }
0x4a: {  	_ =	shalt  }
0x4b: {  	_ =	shalt  }
0x4c: {  	_ =	shalt  }
0x4d: {  	_ =	shalt  }
0x4e: {  	_ =	shalt  }
0x4f: {  	_ =	shalt  }
0x50: {  	_ =	shalt  }
0x51: {  	_ =	shalt  }
0x52: {  	_ =	shalt  }
0x53: {  	_ =	shalt  }
0x54: {  	_ =	shalt  }
0x55: {  	_ =	shalt  }
0x56: {  	_ =	shalt  }
0x57: {  	_ =	shalt  }
0x58: {  	_ =	shalt  }
0x59: {  	_ =	shalt  }
0x5a: {  	_ =	shalt  }
0x5b: {  	_ =	shalt  }
0x5c: {  	_ =	shalt  }
0x5d: {  	_ =	shalt  }
0x5e: {  	_ =	shalt  }
0x5f: {  	_ =	shalt  }
0x60: {  	_ =	shalt  }
0x61: {  	_ =	shalt  }
0x62: {  	_ =	shalt  }
0x63: {  	_ =	shalt  }
0x64: {  	_ =	shalt  }
0x65: {  	_ =	shalt  }
0x66: {  	_ =	shalt  }
0x67: {  	_ =	shalt  }
0x68: {  	_ =	shalt  }
0x69: {  	_ =	shalt  }
0x6a: {  	_ =	shalt  }
0x6b: {  	_ =	shalt  }
0x6c: {  	_ =	shalt  }
0x6d: {  	_ =	shalt  }
0x6e: {  	_ =	shalt  }
0x6f: {  	_ =	shalt  }
0x70: {  	_ =	shalt  }
0x71: {  	_ =	shalt  }
0x72: {  	_ =	shalt  }
0x73: {  	_ =	shalt  }
0x74: {  	_ =	shalt  }
0x75: {  	_ =	shalt  }
0x76: {  	_ =	shalt  }
0x77: {  	_ =	shalt  }
0x78: {  	_ =	shalt  }
0x79: {  	_ =	shalt  }
0x7a: {  	_ =	shalt  }
0x7b: {  	_ =	shalt  }
0x7c: {  	_ =	shalt  }
0x7d: {  	_ =	shalt  }
0x7e: {  	_ =	shalt  }
0x7f: {  	_ =	shalt  }
0x80: {  	_ =	shalt  }
0x81: {  	_ =	shalt  }
0x82: {  	_ =	shalt  }
0x83: {  	_ =	shalt  }
0x84: {  	_ =	shalt  }
0x85: {  	_ =	shalt  }
0x86: {  	_ =	shalt  }
0x87: {  	_ =	shalt  }
.Lfunc_end0:
.L_simem_size_0:
called_computation.1_lowered:
.L_overlay_start_0:
0x88: {  	s2 =	sld [smem:$0x3FD9]  }
0x89: {  	s3 =	sld [smem:$0x3FFE];
	_ =	sdelay $0x1  }
0x8a: {  	s1 =	srdreg.scid  }
0x8b: {  	s0 =	sand.u32 $0x1, s1  }
0x8c: {  	s16 =	sshll.u32 s0, $0xA;
	s2 =	sadd.s32 s3, s2  }
0x8d: {  	s2 =	sadd.s32 s2, s16  }
0x8e: {  	[smem:$0x3FBF] =	sst s2  }
0x8f: {  	_ = 	snop  }
0x90: {  	(tm) =	ssettm $0x1  }
0x91: {  	s17 =	sld [smem:$0x3FFB];
	_ =	sdelay $0x3  }
0x92: {  	_ =	strace s17  }
0x93: {  	s2 =	sld [smem:$0x3FFC];
	_ =	sdelay $0x3  }
0x94: {  	_ =	strace s2  }
0x95: {  	s2 =	sld [smem:$0x3FFD];
	_ =	sdelay $0x3  }
0x96: {  	_ =	strace s2  }
0x97: {  	_ =	strace $0x8FFFFFFF  }
0x98: {  	s18 =	sld [smem:$0x3FDB];
	_ =	sdelay $0x1  }
0x99: {  	s19 =	simm.s32 $_scs_section_size  }
0x9a: {  	s4 =	simm.s32 $_size__tile_overlayer_lowered;
	s5 =	simm.s32 $_tile_overlayer_lowered  }
0x9b: {  	s22 =	simm.s32 $0x1BFF;
	s21 =	sshll.u32 s5, $0x1;
	s2 =	sadd.s32 s19, s18  }
0x9c: {  	s6 =	simm.s32 $0x0;
	s20 =	sshll.u32 s4, $0x1;
	s4 =	sadd.s32 s21, s2  }
0x9d: {  	[timem:s6], [sflag:s22] =	dma.local [hbm:s4], s20  }
0x9e: {  	_ =	swait.ge [sflag:s22], s20  }
0x9f: {  	s3 =	ssub.s32 $0x0, s20;
	[sflag:s22] =	ssyncset.done $0x0  }
0xa0: {  	[sflag:s22] =	ssyncadd.s32 s3;
	_ =	sdelay $0x1  }
0xa1: {  	s23 =	simm.s32 $0x1B8B  }
0xa2: {  	_ =	swait.ge [sflag:s23], $0x1  }
0xa3: {  	[sflag:s23] =	ssyncset.done $0x0  }
0xa4: {  	s25 =	simm.s32 $0x1B8E;
	s24 =	sld [smem:$0x3FFE];
	[sflag:s23] =	ssyncadd.s32 $0xFFFFFFFF  }
0xa5: {  	s26 =	simm.s32 $execute0_lowered;
	[smem:$0x3FD2] =	sst s25  }
0xa6: {  	s4 =	sshll.u32 s26, $0x1;
	_ =	strace $0x80000049;
	[dreg:$0x1] =	wrdreg $0xFFFFFFFF  }
0xa7: {  	s28 =	simm.s32 $_size_execute0_lowered;
	s2 =	sadd.s32 s2, s4;
	[dreg:$0x0] =	wrdreg $0x0  }
0xa8: {  	s4 =	sshll.u32 s28, $0x1;
	[dreg:$0x2] =	wrdreg s2  }
0xa9: {  	[dreg:$0x3] =	wrdreg s4  }
0xaa: {  	[dreg:$0x4] =	wrdreg $0xC0  }
0xab: {  	_ =	task [dreg:s6], $0x5FFFF  }
0xac: {  	[dreg:$0x1] =	wrdreg $0xFFFFFFFF  }
0xad: {  	[dreg:$0x0] =	wrdreg $0x60  }
0xae: {  	[dreg:$0x2] =	wrdreg s24  }
0xaf: {  	[dreg:$0x3] =	wrdreg $0x9C000  }
0xb0: {  	[dreg:$0x4] =	wrdreg $0x9  }
0xb1: {  	_ =	task.clear_ibuf [dreg:s6], $0x5FFFF;
	_ =	strace $0x90000049  }
0xb2: {  	s29 =	simm.s32 $0x9;
	_ =	strace $0x8000004B  }
0xb3: {  	_ =	swait.ge [sflag:s29], $0x1  }
0xb4: {  	[sflag:s29] =	ssyncadd.s32 $0xFFFFFFFF  }
0xb5: {  	_ =	strace $0x9000004B  }
0xb6: {  	_ =	sfence  }
0xb7: {  	s30 =	sld [smem:$0x0];
	_ =	sdelay $0x2  }
0xb8: {  	s31 =	sshll.u32 s1, $0xD;
	s1 =	sshrl.u32 s1, $0x2  }
0xb9: {  	s3 =	sand.u32 $0x4000, s31;
	s1 =	sadd.s32 s1, s30  }
0xba: {  	s0 =	sor.u32 s3, s0;
	s1 =	sshll.u32 s1, $0x11  }
0xbb: {  	s0 =	sor.u32 s1, s0  }
0xbc: {  	s0 =	sadd.s32 $0x8F2B, s0  }
0xbd: {  	[sflag:s0] =	ssyncadd.remote.s32 $0x1  }
0xbe: {  	_ =	sfence.sel $0xFFFF  }
0xbf: {  	[dreg:$0x0] =	wrdreg $0xFFFFFFFF;
	(pc) =	sbr.abs _section_cstart, $3  }
0xc0: {  	[dreg:$0x1] =	wrdreg $0xFFFFFFFF  }
0xc1: {  	_ =	task.clear_ibuf [dreg:s6], $0x2FFFF;
	_ =	strace $0x9FFFFFFF  }
0xc2: {  	(tm) =	ssettm $0x7FFFFFFF  }
0xc3: {  	_ =	shalt  }
tec
execute0_lowered:
.L_overlay_start_1:
0x0: {  	(tag) =	ssettag $0x1  }
0x1: {  	s1 =	srdreg.scid  }
0x2: {  	s0 =	stileid.u32;
	s5 =	rddreg [dreg:$0x0]  }
0x3: {  	s2 =	rddreg [dreg:$0x1];
	s3 =	simm.s32 $0x0;
	s14 =	simm.s32 $0x6800  }
0x4: {  	s15 =	simm.s32 $0x1;
	s6 =	sand.u32 $0x1, s1;
	s1 =	rddreg [dreg:$0x2]  }
0x5: {  	s26 =	sshll.u32 s0, $0x1;
	[smem:$0x7FF] =	sst s3;
	s16 =	smul.u32 $0x2780, s0  }
0x6: {  	s28 =	smul.u32 $0x4F000, s0;
	s31 =	sshll.u32 s0, $0x6;
	s4 =	sor.u32 s6, s26  }
0x7: {  	_ =	strace $0x8000004A;
	s8 =	smul.u32 $0x27800, s6;
	s6 =	ssub.s32 $0x2, s6  }
0x8: {  	s7 =	smul.u32 $0x680, s4;
	s4 =	sadd.s32 $0x94800, s5;
	s10 =	sadd.s32 s16, s5  }
0x9: {  	s29 =	sshrl.u32 s6, $0x1;
	s30 =	sshrl.u32 s28, $0x2;
	s11 =	sadd.s32 s8, s5  }
0xa: {  	s12 =	ssub.s32 s6, s29;
	s13 =	sadd.s32 s30, s2;
	s6 =	sor.u32 $0x1C02, s31  }
0xb: {  	s9 =	sadd.s32 s7, s5;
	s5 =	sadd.s32 $0x11000, s10;
	s17 =	sadd.s32 $0xBBA00, s11  }
0xc: {  	s10 =	sshrl.u32 s13, $0x3;
	s11 =	simm.s32 $0x2;
	s13 =	simm.s32 $0x64  }
0xd: {  	s7 =	sadd.s32 $0x87800, s9;
	s8 =	sadd.s32 $0x4000, s9;
	s9 =	smax.u32 s12, $0x1  }
0xe: {  	s12 =	simm.s32 $0x3400;
	s16 =	sadd.s32 s16, s17;
	s17 =	simm.s32 $0x0  }
.LBB2_1:
0xf: {  	[spmem:s10], [sflag:s6] =	dma.local [hbm:s5], $0x2780  }
0x10: {  	_ =	swait.ge [sflag:s11], $0x2780  }
0x11: {  	[sflag:s11] =	ssyncset.done $0x0  }
0x12: {  	[sflag:s11] =	ssyncadd.s32 $0xFFFFD880  }
0x13: {  	[tilespmem:s3], [sflag:$0x2] =	stream.linear.gather [hbm4b:s7+s3], $0x3200, $0x38;
	[tilespmem:$0x1D800] =	vst v63  }
0x14: {  	_ =	swait.ge [sflag:s11], $0x3200  }
0x15: {  	[sflag:s11] =	ssyncset.done $0x0  }
0x16: {  	[sflag:s11] =	ssyncadd.s32 $0xFFFFCE00  }
0x17: {  	[tilespmem:s12], [sflag:$0x2] =	stream.linear.gather [hbm4b:s8+s3], $0x3200, $0x38;
	[tilespmem:$0x1D800] =	vst v63  }
0x18: {  	_ =	swait.ge [sflag:s11], $0x3200  }
0x19: {  	[sflag:s11] =	ssyncset.done $0x0  }
0x1a: {  	[sflag:s11] =	ssyncadd.s32 $0xFFFFCE00  }
0x1b: {  	s18 =	simm.s32 $0x0;
	[bflag:$0x0] =	sbarrier.arrive $0xFFFF  }
0x1c: {  	[tilespmem:s14], [sflag:$0x1] =	stream.indirect.gather [hbm4b:s4+s13], $0x80, s18, s13, $0xb8;
	[tilespmem:$0x1D800] =	vst v63  }
0x1d: {  	_ =	swait.ge [sflag:s15], $0x3200  }
0x1e: {  	[sflag:s15] =	ssyncset.done $0x0  }
0x1f: {  	s31 =	simm.s32 $0x3400;
	[sflag:s15] =	ssyncadd.s32 $0xFFFFCE00  }
0x20: {  	[spmem:s2] =	stream.indirect.scatter.add.f32 [tilespmem:s14], [sflag:$0x2], $0x80, s31, s13, $0xb8;
	[tilespmem:$0x1D800] =	vst v63  }
0x21: {  	_ =	swait.ge [sflag:s11], $0x3200  }
0x22: {  	s19 =	simm.s32 $0x400;
	s18 =	simm.s32 $0x200;
	[sflag:s11] =	ssyncset.done $0x0  }
.LBB2_2:
0x23: {  	s20 =	sshra.s32 s18, $0x2  }
0x24: {  	[sflag:s11] =	ssyncadd.s32 $0xFFFFCE00;
	s18 =	smov.u32 s19;
	s21 =	sadd.s32 $0x200, s19  }
0x25: {  	[tilespmem:s14], [sflag:$0x1] =	stream.indirect.gather [hbm4b:s4+s13], $0x80, s20, s13, $0xb8;
	[tilespmem:$0x1D800] =	vst v63  }
0x26: {  	p0 =	sne.s32 s19, $0xC600;
	_ =	swait.ge [sflag:s15], $0x3200  }
.Ltmp0:
0x27: {  	[sflag:s15] =	ssyncset.done $0x0;
	(pc) =	sbr.rel @p0 .LBB2_2-.Ltmp0, $4  }
0x28: {  	s19 =	sadd.s32 $0x3400, s20;
	[sflag:s15] =	ssyncadd.s32 $0xFFFFCE00  }
0x29: {  	[spmem:s2] =	stream.indirect.scatter.add.f32 [tilespmem:s14], [sflag:$0x2], $0x80, s19, s13, $0xb8;
	[tilespmem:$0x1D800] =	vst v63  }
0x2a: {  	_ =	swait.ge [sflag:s11], $0x3200  }
0x2b: {  	s19 =	smov.u32 s21;
	[sflag:s11] =	ssyncset.done $0x0  }
0x2c: {  	s18 =	sshra.s32 s18, $0x2;
	[sflag:s11] =	ssyncadd.s32 $0xFFFFCE00  }
0x2d: {  	[tilespmem:s14], [sflag:$0x1] =	stream.indirect.gather [hbm4b:s4+s13], $0x80, s18, s13, $0xb8;
	[tilespmem:$0x1D800] =	vst v63  }
0x2e: {  	_ =	swait.ge [sflag:s15], $0x3200  }
0x2f: {  	[sflag:s15] =	ssyncset.done $0x0  }
0x30: {  	s18 =	sadd.s32 $0x3400, s18;
	[sflag:s15] =	ssyncadd.s32 $0xFFFFCE00  }
0x31: {  	[spmem:s2] =	stream.indirect.scatter.add.f32 [tilespmem:s14], [sflag:$0x2], $0x80, s18, s13, $0xb8;
	[tilespmem:$0x1D800] =	vst v63  }
0x32: {  	_ =	swait.ge [sflag:s11], $0x3200  }
0x33: {  	s17 =	sadd.s32 $0x1, s17;
	[sflag:s11] =	ssyncset.done $0x0  }
0x34: {  	p0 =	sne.s32 s17, s9;
	[sflag:s11] =	ssyncadd.s32 $0xFFFFCE00  }
.Ltmp1:
0x35: {  	[bflag:$0x0] =	sbarrier.arrive $0xFFFF;
	(pc) =	sbr.rel @p0 .LBB2_1-.Ltmp1, $4  }
0x36: {  	[hbm:s16], [sflag:s6] =	dma.local [spmem:s10], $0x2780  }
0x37: {  	_ =	swait.ge [sflag:s11], $0x2780  }
0x38: {  	[sflag:s11] =	ssyncset.done $0x0  }
0x39: {  	[sflag:s11] =	ssyncadd.s32 $0xFFFFD880  }
0x3a: {  	_ =	sfence.sel $0x180000  }
0x3b: {  	[bflag:$0x0] =	sbarrier.arrive $0xFFFF  }
0x3c: {  	p0 =	sne.s32 s0, $0x0;
	_ =	strace $0x9000004A  }
0x3d: {  	s0 =	sadd.s32 @!p0 $0x100000, s1;
	[bflag:$0x2] =	sbarrier.arrive $0xFFFF  }
0x3e: {  	[sflag:s0] =	ssyncadd.tile.s32 @!p0 $0x1;
	_ =	shalt  }
.Lfunc_end2:
_tile_overlayer_lowered:
.L_overlay_start_2:
0x3f: {  	(tag) =	ssettag $0x2  }
0x40: {  	s0 =	rddreg [dreg:$0x0];
	s2 =	stileid.u32  }
0x41: {  	s1 =	rddreg [dreg:$0x1];
	p0 =	sne.s32 s2, $0x0  }
0x42: {  	s3 =	rddreg [dreg:$0x2];
	[bflag:$0x3] =	sbarrier.arrive $0xFFFF;
	s2 =	simm.s32 @!p0 $0x1C02  }
0x43: {  	[timem:s3], [sflag:s2] =	dma.local @!p0 [hbm:s0], s1  }
0x44: {  	s0 =	simm.s32 @!p0 $0x2  }
0x45: {  	_ =	swait.ge @!p0 [sflag:s0], s1  }
0x46: {  	s1 =	ssub.s32 @!p0 $0x0, s1;
	[sflag:s0] =	ssyncset.done @!p0 $0x0  }
0x47: {  	[sflag:s0] =	ssyncadd.s32 @!p0 s1  }
0x48: {  	[bflag:$0x3] =	sbarrier.arrive $0xFFFF  }
0x49: {  	_ =	shalt  }

// kernel: kernel.14.cloned.1.call-start
scs
__scs_entry_jumppad:
0x0: {  	(pc) =	sbr.rel $0x88, $3  }
0x1: {  	(tag) =	ssettag $0x0;
	lr =	simm.s32 $0x1  }
0x2: {  	[smem:$0x3F98] =	sst lr;
	_ =	strace $0xD0000000  }
0x3: {  	_ = 	snop  }
0x4: {  	_ = 	snop  }
0x5: {  	_ = 	snop  }
0x6: {  	_ = 	snop  }
0x7: {  	_ = 	snop  }
__scs_overlays_trampoline_lowered:
0x8: {  	[smem:$0x3FA7] =	sst s0  }
0x9: {  	[smem:$0x3FA8] =	sst s1  }
0xa: {  	[smem:$0x3FA9] =	sst s2  }
0xb: {  	[smem:$0x3FAA] =	sst s3  }
0xc: {  	[smem:$0x3FAB] =	sst s4  }
0xd: {  	[smem:$0x3FAC] =	sst s5  }
0xe: {  	[smem:$0x3FAD] =	sst s6  }
0xf: {  	[smem:$0x3FAE] =	sst s7  }
0x10: {  	[smem:$0x3FAF] =	sst s8  }
0x11: {  	[smem:$0x3FB0] =	sst s9;
	s0 =	simm.s32 @!p0 $0x0  }
0x12: {  	s1 =	sld [smem:$0x3F96];
	s0 =	simm.s32 @p0 $0x1  }
0x13: {  	[smem:$0x3FB1] =	sst s0;
	s0 =	simm.s32 @!p1 $0x0  }
0x14: {  	s2 =	sld [smem:$0x3F95];
	s0 =	simm.s32 @p1 $0x1  }
0x15: {  	[smem:$0x3FB2] =	sst s0;
	s0 =	simm.s32 @!p2 $0x0  }
0x16: {  	s3 =	sld [smem:$0x3FDB];
	s0 =	simm.s32 @p2 $0x1  }
0x17: {  	s4 =	simm.s32 $0x1BF5;
	[smem:$0x3FB4] =	sst s0  }
0x18: {  	s0 =	sld [smem:$0x3F97];
	_ =	swait.ge [sflag:s4], $0x0  }
0x19: {  	s7 =	sld [smem:$0x3F98]  }
0x1a: {  	s8 =	sadd.s32 $0xFFFFE003, lr  }
0x1b: {  	s9 =	sadd.s32 $0xFFFFFEF7, lr;
	s5 =	simm.s32 $0xFFFFFFFF;
	p2 =	slt.u32 s8, $0xFFFFF086  }
0x1c: {  	p1 =	slt.u32 s9, $0xF7A;
	s5 =	simm.s32 @!p2 $0x0  }
0x1d: {  	s5 =	simm.s32 @p1 $0x1;
	p0 =	seq.s32 s7, s2  }
0x1e: {  	s7 =	smul.u32 @!p0 $0xF7A, s2;
	p2 =	seq.s32 @!p0 s5, $0x0  }
0x1f: {  	s9 =	smul.u32 $0xF7A, s1;
	s8 =	simm.s32 @!p0 $0x1BF5;
	p2 =	por !p2, p0  }
0x20: {  	[sflag:s8] =	ssyncset.s32 @!p0 $0xFFFFF086;
	s6 =	sadd.s32 @!p0 s3, s7;
	s7 =	simm.s32 @!p0 $0x108  }
0x21: {  	s3 =	sadd.s32 s3, s9;
	s6 =	sadd.s32 @!p0 $0x88, s6;
	s7 =	simm.s32 @p2 $0x1082  }
0x22: {  	[simem:s7], [sflag:s8] =	dma.local @!p0 [hbm:s6], $0xF7A  }
0x23: {  	s9 =	sor.u32 $0xD0000000, s2;
	s6 =	simm.s32 $0x108;
	_ =	swait.ge @!p0 [sflag:s8], $0x0  }
0x24: {  	s3 =	sadd.s32 $0x88, s3;
	s6 =	simm.s32 @!p1 $0x1082;
	[sflag:s4] =	ssyncset.s32 $0xFFFFF086  }
0x25: {  	[simem:s6], [sflag:s4] =	dma.local [hbm:s3], $0xF7A  }
0x26: {  	[smem:$0x3F98] =	sst s1;
	(tag) =	ssettag s2;
	_ =	strace s9  }
0x27: {  	s1 =	sld [smem:$0x3FA8]  }
0x28: {  	s2 =	sld [smem:$0x3FA9]  }
0x29: {  	s4 =	sld [smem:$0x3FAB]  }
0x2a: {  	p0 =	seq.s32 s5, $0x0;
	s5 =	sld [smem:$0x3FAC]  }
0x2b: {  	s6 =	sld [smem:$0x3FAD]  }
0x2c: {  	s7 =	sld [smem:$0x3FAE]  }
0x2d: {  	s3 =	simm.s32 $0x108;
	s8 =	sld [smem:$0x3FAF]  }
0x2e: {  	s3 =	simm.s32 @!p0 $0x1082;
	s9 =	sld [smem:$0x3FB0]  }
0x2f: {  	lr =	sadd.s32 s0, s3;
	s0 =	sld [smem:$0x3FA7]  }
0x30: {  	s3 =	sld [smem:$0x3FAA]  }
0x31: {  	[smem:$0x3FB3] =	sst s10  }
0x32: {  	s10 =	sld [smem:$0x3FB1];
	_ =	sdelay $0x3  }
0x33: {  	p0 =	seq.s32 s10, $0x1;
	s10 =	sld [smem:$0x3FB3];
	_ =	sdelay $0x3  }
0x34: {  	[smem:$0x3FB3] =	sst s10  }
0x35: {  	s10 =	sld [smem:$0x3FB2];
	_ =	sdelay $0x3  }
0x36: {  	p1 =	seq.s32 s10, $0x1;
	s10 =	sld [smem:$0x3FB3];
	_ =	sdelay $0x3  }
0x37: {  	[smem:$0x3FB3] =	sst s10  }
0x38: {  	s10 =	sld [smem:$0x3FB4]  }
0x39: {  	_ = 	snop;
	(pc) =	sbr.ind lr, $3  }
0x3a: {  	_ = 	snop  }
0x3b: {  	_ = 	snop  }
0x3c: {  	p2 =	seq.s32 s10, $0x1;
	s10 =	sld [smem:$0x3FB3]  }
0x3d: {  	_ =	shalt  }
0x3e: {  	_ =	shalt  }
0x3f: {  	_ =	shalt  }
0x40: {  	_ =	shalt  }
0x41: {  	_ =	shalt  }
0x42: {  	_ =	shalt  }
0x43: {  	_ =	shalt  }
0x44: {  	_ =	shalt  }
0x45: {  	_ =	shalt  }
0x46: {  	_ =	shalt  }
0x47: {  	_ =	shalt  }
0x48: {  	_ =	shalt  }
0x49: {  	_ =	shalt  }
0x4a: {  	_ =	shalt  }
0x4b: {  	_ =	shalt  }
0x4c: {  	_ =	shalt  }
0x4d: {  	_ =	shalt  }
0x4e: {  	_ =	shalt  }
0x4f: {  	_ =	shalt  }
0x50: {  	_ =	shalt  }
0x51: {  	_ =	shalt  }
0x52: {  	_ =	shalt  }
0x53: {  	_ =	shalt  }
0x54: {  	_ =	shalt  }
0x55: {  	_ =	shalt  }
0x56: {  	_ =	shalt  }
0x57: {  	_ =	shalt  }
0x58: {  	_ =	shalt  }
0x59: {  	_ =	shalt  }
0x5a: {  	_ =	shalt  }
0x5b: {  	_ =	shalt  }
0x5c: {  	_ =	shalt  }
0x5d: {  	_ =	shalt  }
0x5e: {  	_ =	shalt  }
0x5f: {  	_ =	shalt  }
0x60: {  	_ =	shalt  }
0x61: {  	_ =	shalt  }
0x62: {  	_ =	shalt  }
0x63: {  	_ =	shalt  }
0x64: {  	_ =	shalt  }
0x65: {  	_ =	shalt  }
0x66: {  	_ =	shalt  }
0x67: {  	_ =	shalt  }
0x68: {  	_ =	shalt  }
0x69: {  	_ =	shalt  }
0x6a: {  	_ =	shalt  }
0x6b: {  	_ =	shalt  }
0x6c: {  	_ =	shalt  }
0x6d: {  	_ =	shalt  }
0x6e: {  	_ =	shalt  }
0x6f: {  	_ =	shalt  }
0x70: {  	_ =	shalt  }
0x71: {  	_ =	shalt  }
0x72: {  	_ =	shalt  }
0x73: {  	_ =	shalt  }
0x74: {  	_ =	shalt  }
0x75: {  	_ =	shalt  }
0x76: {  	_ =	shalt  }
0x77: {  	_ =	shalt  }
0x78: {  	_ =	shalt  }
0x79: {  	_ =	shalt  }
0x7a: {  	_ =	shalt  }
0x7b: {  	_ =	shalt  }
0x7c: {  	_ =	shalt  }
0x7d: {  	_ =	shalt  }
0x7e: {  	_ =	shalt  }
0x7f: {  	_ =	shalt  }
0x80: {  	_ =	shalt  }
0x81: {  	_ =	shalt  }
0x82: {  	_ =	shalt  }
0x83: {  	_ =	shalt  }
0x84: {  	_ =	shalt  }
0x85: {  	_ =	shalt  }
0x86: {  	_ =	shalt  }
0x87: {  	_ =	shalt  }
.Lfunc_end0:
.L_simem_size_0:
called_computation.2_lowered:
.L_overlay_start_0:
0x88: {  	s2 =	sld [smem:$0x3FD9]  }
0x89: {  	s3 =	sld [smem:$0x3FFE];
	_ =	sdelay $0x1  }
0x8a: {  	s1 =	srdreg.scid  }
0x8b: {  	s0 =	sand.u32 $0x1, s1  }
0x8c: {  	s16 =	sshll.u32 s0, $0xA;
	s2 =	sadd.s32 s3, s2  }
0x8d: {  	s2 =	sadd.s32 s2, s16  }
0x8e: {  	[smem:$0x3FBF] =	sst s2  }
0x8f: {  	_ = 	snop  }
0x90: {  	(tm) =	ssettm $0x1  }
0x91: {  	s17 =	sld [smem:$0x3FFB];
	_ =	sdelay $0x3  }
0x92: {  	_ =	strace s17  }
0x93: {  	s2 =	sld [smem:$0x3FFC];
	_ =	sdelay $0x3  }
0x94: {  	_ =	strace s2  }
0x95: {  	s2 =	sld [smem:$0x3FFD];
	_ =	sdelay $0x3  }
0x96: {  	_ =	strace s2  }
0x97: {  	_ =	strace $0x8FFFFFFF  }
0x98: {  	s18 =	sld [smem:$0x3FDB];
	_ =	sdelay $0x1  }
0x99: {  	s19 =	simm.s32 $_scs_section_size  }
0x9a: {  	s4 =	simm.s32 $_size__tile_overlayer_lowered;
	s5 =	simm.s32 $_tile_overlayer_lowered  }
0x9b: {  	s22 =	simm.s32 $0x1BFF;
	s21 =	sshll.u32 s5, $0x1;
	s2 =	sadd.s32 s19, s18  }
0x9c: {  	s6 =	simm.s32 $0x0;
	s20 =	sshll.u32 s4, $0x1;
	s4 =	sadd.s32 s21, s2  }
0x9d: {  	[timem:s6], [sflag:s22] =	dma.local [hbm:s4], s20  }
0x9e: {  	_ =	swait.ge [sflag:s22], s20  }
0x9f: {  	s3 =	ssub.s32 $0x0, s20;
	[sflag:s22] =	ssyncset.done $0x0  }
0xa0: {  	[sflag:s22] =	ssyncadd.s32 s3;
	_ =	sdelay $0x1  }
0xa1: {  	s23 =	simm.s32 $0x1B8B  }
0xa2: {  	_ =	swait.ge [sflag:s23], $0x1  }
0xa3: {  	[sflag:s23] =	ssyncset.done $0x0  }
0xa4: {  	s25 =	simm.s32 $0x1B8E;
	s24 =	sld [smem:$0x3FFE];
	[sflag:s23] =	ssyncadd.s32 $0xFFFFFFFF  }
0xa5: {  	s26 =	simm.s32 $execute0_lowered;
	[smem:$0x3FD2] =	sst s25  }
0xa6: {  	s4 =	sshll.u32 s26, $0x1;
	_ =	strace $0x8000004C;
	[dreg:$0x1] =	wrdreg $0xFFFFFFFF  }
0xa7: {  	s28 =	simm.s32 $_size_execute0_lowered;
	s2 =	sadd.s32 s2, s4;
	[dreg:$0x0] =	wrdreg $0x0  }
0xa8: {  	s4 =	sshll.u32 s28, $0x1;
	[dreg:$0x2] =	wrdreg s2  }
0xa9: {  	[dreg:$0x3] =	wrdreg s4  }
0xaa: {  	[dreg:$0x4] =	wrdreg $0xC0  }
0xab: {  	_ =	task [dreg:s6], $0x5FFFF  }
0xac: {  	[dreg:$0x1] =	wrdreg $0xFFFFFFFF  }
0xad: {  	[dreg:$0x0] =	wrdreg $0x60  }
0xae: {  	[dreg:$0x2] =	wrdreg s24  }
0xaf: {  	[dreg:$0x3] =	wrdreg $0x9C000  }
0xb0: {  	[dreg:$0x4] =	wrdreg $0x9  }
0xb1: {  	_ =	task.clear_ibuf [dreg:s6], $0x5FFFF;
	_ =	strace $0x9000004C  }
0xb2: {  	s29 =	simm.s32 $0x9;
	_ =	strace $0x8000004E  }
0xb3: {  	_ =	swait.ge [sflag:s29], $0x1  }
0xb4: {  	[sflag:s29] =	ssyncadd.s32 $0xFFFFFFFF  }
0xb5: {  	_ =	strace $0x9000004E  }
0xb6: {  	_ =	sfence  }
0xb7: {  	s30 =	sld [smem:$0x0];
	_ =	sdelay $0x2  }
0xb8: {  	s31 =	sshll.u32 s1, $0xD;
	s1 =	sshrl.u32 s1, $0x2  }
0xb9: {  	s3 =	sand.u32 $0x4000, s31;
	s1 =	sadd.s32 s1, s30  }
0xba: {  	s0 =	sor.u32 s3, s0;
	s1 =	sshll.u32 s1, $0x11  }
0xbb: {  	s0 =	sor.u32 s1, s0  }
0xbc: {  	s0 =	sadd.s32 $0x8F2B, s0  }
0xbd: {  	[sflag:s0] =	ssyncadd.remote.s32 $0x1  }
0xbe: {  	_ =	sfence.sel $0xFFFF  }
0xbf: {  	[dreg:$0x0] =	wrdreg $0xFFFFFFFF;
	(pc) =	sbr.abs _section_cstart, $3  }
0xc0: {  	[dreg:$0x1] =	wrdreg $0xFFFFFFFF  }
0xc1: {  	_ =	task.clear_ibuf [dreg:s6], $0x2FFFF;
	_ =	strace $0x9FFFFFFF  }
0xc2: {  	(tm) =	ssettm $0x7FFFFFFF  }
0xc3: {  	_ =	shalt  }
tec
execute0_lowered:
.L_overlay_start_1:
0x0: {  	(tag) =	ssettag $0x1  }
0x1: {  	s1 =	srdreg.scid  }
0x2: {  	s0 =	stileid.u32;
	s5 =	rddreg [dreg:$0x0]  }
0x3: {  	s2 =	rddreg [dreg:$0x1];
	s3 =	simm.s32 $0x0;
	s14 =	simm.s32 $0x6800  }
0x4: {  	s15 =	simm.s32 $0x1;
	s6 =	sand.u32 $0x1, s1;
	s1 =	rddreg [dreg:$0x2]  }
0x5: {  	s26 =	sshll.u32 s0, $0x1;
	[smem:$0x7FF] =	sst s3;
	s16 =	smul.u32 $0x2780, s0  }
0x6: {  	s28 =	smul.u32 $0x4F000, s0;
	s31 =	sshll.u32 s0, $0x6;
	s4 =	sor.u32 s6, s26  }
0x7: {  	_ =	strace $0x8000004D;
	s8 =	smul.u32 $0x27800, s6;
	s6 =	ssub.s32 $0x2, s6  }
0x8: {  	s7 =	smul.u32 $0x680, s4;
	s4 =	sadd.s32 $0x94800, s5;
	s10 =	sadd.s32 s16, s5  }
0x9: {  	s29 =	sshrl.u32 s6, $0x1;
	s30 =	sshrl.u32 s28, $0x2;
	s11 =	sadd.s32 s8, s5  }
0xa: {  	s12 =	ssub.s32 s6, s29;
	s13 =	sadd.s32 s30, s2;
	s6 =	sor.u32 $0x1C02, s31  }
0xb: {  	s9 =	sadd.s32 s7, s5;
	s5 =	sadd.s32 $0x11000, s10;
	s17 =	sadd.s32 $0xBBA00, s11  }
0xc: {  	s10 =	sshrl.u32 s13, $0x3;
	s11 =	simm.s32 $0x2;
	s13 =	simm.s32 $0x64  }
0xd: {  	s7 =	sadd.s32 $0x87800, s9;
	s8 =	sadd.s32 $0x4000, s9;
	s9 =	smax.u32 s12, $0x1  }
0xe: {  	s12 =	simm.s32 $0x3400;
	s16 =	sadd.s32 s16, s17;
	s17 =	simm.s32 $0x0  }
.LBB2_1:
0xf: {  	[spmem:s10], [sflag:s6] =	dma.local [hbm:s5], $0x2780  }
0x10: {  	_ =	swait.ge [sflag:s11], $0x2780  }
0x11: {  	[sflag:s11] =	ssyncset.done $0x0  }
0x12: {  	[sflag:s11] =	ssyncadd.s32 $0xFFFFD880  }
0x13: {  	[tilespmem:s3], [sflag:$0x2] =	stream.linear.gather [hbm4b:s7+s3], $0x3200, $0x38;
	[tilespmem:$0x1D800] =	vst v63  }
0x14: {  	_ =	swait.ge [sflag:s11], $0x3200  }
0x15: {  	[sflag:s11] =	ssyncset.done $0x0  }
0x16: {  	[sflag:s11] =	ssyncadd.s32 $0xFFFFCE00  }
0x17: {  	[tilespmem:s12], [sflag:$0x2] =	stream.linear.gather [hbm4b:s8+s3], $0x3200, $0x38;
	[tilespmem:$0x1D800] =	vst v63  }
0x18: {  	_ =	swait.ge [sflag:s11], $0x3200  }
0x19: {  	[sflag:s11] =	ssyncset.done $0x0  }
0x1a: {  	[sflag:s11] =	ssyncadd.s32 $0xFFFFCE00  }
0x1b: {  	s18 =	simm.s32 $0x0;
	[bflag:$0x0] =	sbarrier.arrive $0xFFFF  }
0x1c: {  	[tilespmem:s14], [sflag:$0x1] =	stream.indirect.gather [hbm4b:s4+s13], $0x80, s18, s13, $0xb8;
	[tilespmem:$0x1D800] =	vst v63  }
0x1d: {  	_ =	swait.ge [sflag:s15], $0x3200  }
0x1e: {  	[sflag:s15] =	ssyncset.done $0x0  }
0x1f: {  	s31 =	simm.s32 $0x3400;
	[sflag:s15] =	ssyncadd.s32 $0xFFFFCE00  }
0x20: {  	[spmem:s2] =	stream.indirect.scatter.add.f32 [tilespmem:s14], [sflag:$0x2], $0x80, s31, s13, $0xb8;
	[tilespmem:$0x1D800] =	vst v63  }
0x21: {  	_ =	swait.ge [sflag:s11], $0x3200  }
0x22: {  	s19 =	simm.s32 $0x400;
	s18 =	simm.s32 $0x200;
	[sflag:s11] =	ssyncset.done $0x0  }
.LBB2_2:
0x23: {  	s20 =	sshra.s32 s18, $0x2  }
0x24: {  	[sflag:s11] =	ssyncadd.s32 $0xFFFFCE00;
	s18 =	smov.u32 s19;
	s21 =	sadd.s32 $0x200, s19  }
0x25: {  	[tilespmem:s14], [sflag:$0x1] =	stream.indirect.gather [hbm4b:s4+s13], $0x80, s20, s13, $0xb8;
	[tilespmem:$0x1D800] =	vst v63  }
0x26: {  	p0 =	sne.s32 s19, $0xC600;
	_ =	swait.ge [sflag:s15], $0x3200  }
.Ltmp0:
0x27: {  	[sflag:s15] =	ssyncset.done $0x0;
	(pc) =	sbr.rel @p0 .LBB2_2-.Ltmp0, $4  }
0x28: {  	s19 =	sadd.s32 $0x3400, s20;
	[sflag:s15] =	ssyncadd.s32 $0xFFFFCE00  }
0x29: {  	[spmem:s2] =	stream.indirect.scatter.add.f32 [tilespmem:s14], [sflag:$0x2], $0x80, s19, s13, $0xb8;
	[tilespmem:$0x1D800] =	vst v63  }
0x2a: {  	_ =	swait.ge [sflag:s11], $0x3200  }
0x2b: {  	s19 =	smov.u32 s21;
	[sflag:s11] =	ssyncset.done $0x0  }
0x2c: {  	s18 =	sshra.s32 s18, $0x2;
	[sflag:s11] =	ssyncadd.s32 $0xFFFFCE00  }
0x2d: {  	[tilespmem:s14], [sflag:$0x1] =	stream.indirect.gather [hbm4b:s4+s13], $0x80, s18, s13, $0xb8;
	[tilespmem:$0x1D800] =	vst v63  }
0x2e: {  	_ =	swait.ge [sflag:s15], $0x3200  }
0x2f: {  	[sflag:s15] =	ssyncset.done $0x0  }
0x30: {  	s18 =	sadd.s32 $0x3400, s18;
	[sflag:s15] =	ssyncadd.s32 $0xFFFFCE00  }
0x31: {  	[spmem:s2] =	stream.indirect.scatter.add.f32 [tilespmem:s14], [sflag:$0x2], $0x80, s18, s13, $0xb8;
	[tilespmem:$0x1D800] =	vst v63  }
0x32: {  	_ =	swait.ge [sflag:s11], $0x3200  }
0x33: {  	s17 =	sadd.s32 $0x1, s17;
	[sflag:s11] =	ssyncset.done $0x0  }
0x34: {  	p0 =	sne.s32 s17, s9;
	[sflag:s11] =	ssyncadd.s32 $0xFFFFCE00  }
.Ltmp1:
0x35: {  	[bflag:$0x0] =	sbarrier.arrive $0xFFFF;
	(pc) =	sbr.rel @p0 .LBB2_1-.Ltmp1, $4  }
0x36: {  	[hbm:s16], [sflag:s6] =	dma.local [spmem:s10], $0x2780  }
0x37: {  	_ =	swait.ge [sflag:s11], $0x2780  }
0x38: {  	[sflag:s11] =	ssyncset.done $0x0  }
0x39: {  	[sflag:s11] =	ssyncadd.s32 $0xFFFFD880  }
0x3a: {  	_ =	sfence.sel $0x180000  }
0x3b: {  	[bflag:$0x0] =	sbarrier.arrive $0xFFFF  }
0x3c: {  	p0 =	sne.s32 s0, $0x0;
	_ =	strace $0x9000004D  }
0x3d: {  	s0 =	sadd.s32 @!p0 $0x100000, s1;
	[bflag:$0x2] =	sbarrier.arrive $0xFFFF  }
0x3e: {  	[sflag:s0] =	ssyncadd.tile.s32 @!p0 $0x1;
	_ =	shalt  }
.Lfunc_end2:
_tile_overlayer_lowered:
.L_overlay_start_2:
0x3f: {  	(tag) =	ssettag $0x2  }
0x40: {  	s0 =	rddreg [dreg:$0x0];
	s2 =	stileid.u32  }
0x41: {  	s1 =	rddreg [dreg:$0x1];
	p0 =	sne.s32 s2, $0x0  }
0x42: {  	s3 =	rddreg [dreg:$0x2];
	[bflag:$0x3] =	sbarrier.arrive $0xFFFF;
	s2 =	simm.s32 @!p0 $0x1C02  }
0x43: {  	[timem:s3], [sflag:s2] =	dma.local @!p0 [hbm:s0], s1  }
0x44: {  	s0 =	simm.s32 @!p0 $0x2  }
0x45: {  	_ =	swait.ge @!p0 [sflag:s0], s1  }
0x46: {  	s1 =	ssub.s32 @!p0 $0x0, s1;
	[sflag:s0] =	ssyncset.done @!p0 $0x0  }
0x47: {  	[sflag:s0] =	ssyncadd.s32 @!p0 s1  }
0x48: {  	[bflag:$0x3] =	sbarrier.arrive $0xFFFF  }
0x49: {  	_ =	shalt  }

// kernel: kernel.8.cloned.1.call-start
scs
__scs_entry_jumppad:
0x0: {  	(pc) =	sbr.rel $0x88, $3  }
0x1: {  	(tag) =	ssettag $0x0;
	lr =	simm.s32 $0x1  }
0x2: {  	[smem:$0x3F98] =	sst lr;
	_ =	strace $0xD0000000  }
0x3: {  	_ = 	snop  }
0x4: {  	_ = 	snop  }
0x5: {  	_ = 	snop  }
0x6: {  	_ = 	snop  }
0x7: {  	_ = 	snop  }
__scs_overlays_trampoline_lowered:
0x8: {  	[smem:$0x3FA7] =	sst s0  }
0x9: {  	[smem:$0x3FA8] =	sst s1  }
0xa: {  	[smem:$0x3FA9] =	sst s2  }
0xb: {  	[smem:$0x3FAA] =	sst s3  }
0xc: {  	[smem:$0x3FAB] =	sst s4  }
0xd: {  	[smem:$0x3FAC] =	sst s5  }
0xe: {  	[smem:$0x3FAD] =	sst s6  }
0xf: {  	[smem:$0x3FAE] =	sst s7  }
0x10: {  	[smem:$0x3FAF] =	sst s8  }
0x11: {  	[smem:$0x3FB0] =	sst s9;
	s0 =	simm.s32 @!p0 $0x0  }
0x12: {  	s1 =	sld [smem:$0x3F96];
	s0 =	simm.s32 @p0 $0x1  }
0x13: {  	[smem:$0x3FB1] =	sst s0;
	s0 =	simm.s32 @!p1 $0x0  }
0x14: {  	s2 =	sld [smem:$0x3F95];
	s0 =	simm.s32 @p1 $0x1  }
0x15: {  	[smem:$0x3FB2] =	sst s0;
	s0 =	simm.s32 @!p2 $0x0  }
0x16: {  	s3 =	sld [smem:$0x3FDB];
	s0 =	simm.s32 @p2 $0x1  }
0x17: {  	s4 =	simm.s32 $0x1BF5;
	[smem:$0x3FB4] =	sst s0  }
0x18: {  	s0 =	sld [smem:$0x3F97];
	_ =	swait.ge [sflag:s4], $0x0  }
0x19: {  	s7 =	sld [smem:$0x3F98]  }
0x1a: {  	s8 =	sadd.s32 $0xFFFFE003, lr  }
0x1b: {  	s9 =	sadd.s32 $0xFFFFFEF7, lr;
	s5 =	simm.s32 $0xFFFFFFFF;
	p2 =	slt.u32 s8, $0xFFFFF086  }
0x1c: {  	p1 =	slt.u32 s9, $0xF7A;
	s5 =	simm.s32 @!p2 $0x0  }
0x1d: {  	s5 =	simm.s32 @p1 $0x1;
	p0 =	seq.s32 s7, s2  }
0x1e: {  	s7 =	smul.u32 @!p0 $0xF7A, s2;
	p2 =	seq.s32 @!p0 s5, $0x0  }
0x1f: {  	s9 =	smul.u32 $0xF7A, s1;
	s8 =	simm.s32 @!p0 $0x1BF5;
	p2 =	por !p2, p0  }
0x20: {  	[sflag:s8] =	ssyncset.s32 @!p0 $0xFFFFF086;
	s6 =	sadd.s32 @!p0 s3, s7;
	s7 =	simm.s32 @!p0 $0x108  }
0x21: {  	s3 =	sadd.s32 s3, s9;
	s6 =	sadd.s32 @!p0 $0x88, s6;
	s7 =	simm.s32 @p2 $0x1082  }
0x22: {  	[simem:s7], [sflag:s8] =	dma.local @!p0 [hbm:s6], $0xF7A  }
0x23: {  	s9 =	sor.u32 $0xD0000000, s2;
	s6 =	simm.s32 $0x108;
	_ =	swait.ge @!p0 [sflag:s8], $0x0  }
0x24: {  	s3 =	sadd.s32 $0x88, s3;
	s6 =	simm.s32 @!p1 $0x1082;
	[sflag:s4] =	ssyncset.s32 $0xFFFFF086  }
0x25: {  	[simem:s6], [sflag:s4] =	dma.local [hbm:s3], $0xF7A  }
0x26: {  	[smem:$0x3F98] =	sst s1;
	(tag) =	ssettag s2;
	_ =	strace s9  }
0x27: {  	s1 =	sld [smem:$0x3FA8]  }
0x28: {  	s2 =	sld [smem:$0x3FA9]  }
0x29: {  	s4 =	sld [smem:$0x3FAB]  }
0x2a: {  	p0 =	seq.s32 s5, $0x0;
	s5 =	sld [smem:$0x3FAC]  }
0x2b: {  	s6 =	sld [smem:$0x3FAD]  }
0x2c: {  	s7 =	sld [smem:$0x3FAE]  }
0x2d: {  	s3 =	simm.s32 $0x108;
	s8 =	sld [smem:$0x3FAF]  }
0x2e: {  	s3 =	simm.s32 @!p0 $0x1082;
	s9 =	sld [smem:$0x3FB0]  }
0x2f: {  	lr =	sadd.s32 s0, s3;
	s0 =	sld [smem:$0x3FA7]  }
0x30: {  	s3 =	sld [smem:$0x3FAA]  }
0x31: {  	[smem:$0x3FB3] =	sst s10  }
0x32: {  	s10 =	sld [smem:$0x3FB1];
	_ =	sdelay $0x3  }
0x33: {  	p0 =	seq.s32 s10, $0x1;
	s10 =	sld [smem:$0x3FB3];
	_ =	sdelay $0x3  }
0x34: {  	[smem:$0x3FB3] =	sst s10  }
0x35: {  	s10 =	sld [smem:$0x3FB2];
	_ =	sdelay $0x3  }
0x36: {  	p1 =	seq.s32 s10, $0x1;
	s10 =	sld [smem:$0x3FB3];
	_ =	sdelay $0x3  }
0x37: {  	[smem:$0x3FB3] =	sst s10  }
0x38: {  	s10 =	sld [smem:$0x3FB4]  }
0x39: {  	_ = 	snop;
	(pc) =	sbr.ind lr, $3  }
0x3a: {  	_ = 	snop  }
0x3b: {  	_ = 	snop  }
0x3c: {  	p2 =	seq.s32 s10, $0x1;
	s10 =	sld [smem:$0x3FB3]  }
0x3d: {  	_ =	shalt  }
0x3e: {  	_ =	shalt  }
0x3f: {  	_ =	shalt  }
0x40: {  	_ =	shalt  }
0x41: {  	_ =	shalt  }
0x42: {  	_ =	shalt  }
0x43: {  	_ =	shalt  }
0x44: {  	_ =	shalt  }
0x45: {  	_ =	shalt  }
0x46: {  	_ =	shalt  }
0x47: {  	_ =	shalt  }
0x48: {  	_ =	shalt  }
0x49: {  	_ =	shalt  }
0x4a: {  	_ =	shalt  }
0x4b: {  	_ =	shalt  }
0x4c: {  	_ =	shalt  }
0x4d: {  	_ =	shalt  }
0x4e: {  	_ =	shalt  }
0x4f: {  	_ =	shalt  }
0x50: {  	_ =	shalt  }
0x51: {  	_ =	shalt  }
0x52: {  	_ =	shalt  }
0x53: {  	_ =	shalt  }
0x54: {  	_ =	shalt  }
0x55: {  	_ =	shalt  }
0x56: {  	_ =	shalt  }
0x57: {  	_ =	shalt  }
0x58: {  	_ =	shalt  }
0x59: {  	_ =	shalt  }
0x5a: {  	_ =	shalt  }
0x5b: {  	_ =	shalt  }
0x5c: {  	_ =	shalt  }
0x5d: {  	_ =	shalt  }
0x5e: {  	_ =	shalt  }
0x5f: {  	_ =	shalt  }
0x60: {  	_ =	shalt  }
0x61: {  	_ =	shalt  }
0x62: {  	_ =	shalt  }
0x63: {  	_ =	shalt  }
0x64: {  	_ =	shalt  }
0x65: {  	_ =	shalt  }
0x66: {  	_ =	shalt  }
0x67: {  	_ =	shalt  }
0x68: {  	_ =	shalt  }
0x69: {  	_ =	shalt  }
0x6a: {  	_ =	shalt  }
0x6b: {  	_ =	shalt  }
0x6c: {  	_ =	shalt  }
0x6d: {  	_ =	shalt  }
0x6e: {  	_ =	shalt  }
0x6f: {  	_ =	shalt  }
0x70: {  	_ =	shalt  }
0x71: {  	_ =	shalt  }
0x72: {  	_ =	shalt  }
0x73: {  	_ =	shalt  }
0x74: {  	_ =	shalt  }
0x75: {  	_ =	shalt  }
0x76: {  	_ =	shalt  }
0x77: {  	_ =	shalt  }
0x78: {  	_ =	shalt  }
0x79: {  	_ =	shalt  }
0x7a: {  	_ =	shalt  }
0x7b: {  	_ =	shalt  }
0x7c: {  	_ =	shalt  }
0x7d: {  	_ =	shalt  }
0x7e: {  	_ =	shalt  }
0x7f: {  	_ =	shalt  }
0x80: {  	_ =	shalt  }
0x81: {  	_ =	shalt  }
0x82: {  	_ =	shalt  }
0x83: {  	_ =	shalt  }
0x84: {  	_ =	shalt  }
0x85: {  	_ =	shalt  }
0x86: {  	_ =	shalt  }
0x87: {  	_ =	shalt  }
.Lfunc_end0:
.L_simem_size_0:
called_computation_lowered:
.L_overlay_start_0:
0x88: {  	s2 =	sld [smem:$0x3FD9]  }
0x89: {  	s3 =	sld [smem:$0x3FFE];
	_ =	sdelay $0x1  }
0x8a: {  	s1 =	srdreg.scid  }
0x8b: {  	s0 =	sand.u32 $0x1, s1  }
0x8c: {  	s17 =	sshll.u32 s0, $0xA;
	s2 =	sadd.s32 s3, s2  }
0x8d: {  	s2 =	sadd.s32 s2, s17  }
0x8e: {  	[smem:$0x3FBF] =	sst s2  }
0x8f: {  	_ = 	snop  }
0x90: {  	s2 =	sld [smem:$0x3FD0];
	(tm) =	ssettm $0x1  }
0x91: {  	s18 =	sld [smem:$0x3FFB];
	_ =	sdelay $0x3  }
0x92: {  	_ =	strace s18  }
0x93: {  	s3 =	sld [smem:$0x3FFC];
	_ =	sdelay $0x3  }
0x94: {  	_ =	strace s3  }
0x95: {  	s3 =	sld [smem:$0x3FFD];
	_ =	sdelay $0x3  }
0x96: {  	_ =	strace s3  }
0x97: {  	_ =	strace $0x8FFFFFFF  }
0x98: {  	s19 =	sld [smem:$0x3FDB];
	_ =	sdelay $0x1  }
0x99: {  	s4 =	simm.s32 $_scs_section_size  }
0x9a: {  	s5 =	simm.s32 $_size__tile_overlayer_lowered;
	s6 =	simm.s32 $_tile_overlayer_lowered  }
0x9b: {  	s22 =	simm.s32 $0x1BFF;
	s21 =	sshll.u32 s6, $0x1;
	s3 =	sadd.s32 s4, s19  }
0x9c: {  	s7 =	simm.s32 $0x0;
	s20 =	sshll.u32 s5, $0x1;
	s5 =	sadd.s32 s21, s3  }
0x9d: {  	[timem:s7], [sflag:s22] =	dma.local [hbm:s5], s20  }
0x9e: {  	_ =	swait.ge [sflag:s22], s20  }
0x9f: {  	s4 =	ssub.s32 $0x0, s20;
	[sflag:s22] =	ssyncset.done $0x0  }
0xa0: {  	[sflag:s22] =	ssyncadd.s32 s4;
	_ =	sdelay $0x1  }
0xa1: {  	s23 =	simm.s32 $0x1B8B  }
0xa2: {  	_ =	swait.ge [sflag:s23], $0x1  }
0xa3: {  	[sflag:s23] =	ssyncset.done $0x0  }
0xa4: {  	s25 =	simm.s32 $0x1B8E;
	s24 =	sld [smem:$0x3FFE];
	[sflag:s23] =	ssyncadd.s32 $0xFFFFFFFF  }
0xa5: {  	s26 =	simm.s32 $execute0_lowered;
	[smem:$0x3FD2] =	sst s25  }
0xa6: {  	s5 =	sshll.u32 s26, $0x1;
	_ =	strace $0x80000046;
	[dreg:$0x1] =	wrdreg $0xFFFFFFFF  }
0xa7: {  	s28 =	simm.s32 $_size_execute0_lowered;
	s3 =	sadd.s32 s3, s5;
	[dreg:$0x0] =	wrdreg $0x0  }
0xa8: {  	s5 =	sshll.u32 s28, $0x1;
	[dreg:$0x2] =	wrdreg s3  }
0xa9: {  	[dreg:$0x3] =	wrdreg s5  }
0xaa: {  	[dreg:$0x4] =	wrdreg $0xC0  }
0xab: {  	_ =	task [dreg:s7], $0x5FFFF  }
0xac: {  	[dreg:$0x1] =	wrdreg $0xFFFFFFFF  }
0xad: {  	[dreg:$0x0] =	wrdreg $0x60  }
0xae: {  	[dreg:$0x2] =	wrdreg s24  }
0xaf: {  	[dreg:$0x3] =	wrdreg s2  }
0xb0: {  	[dreg:$0x4] =	wrdreg $0x68000  }
0xb1: {  	[dreg:$0x5] =	wrdreg $0x9  }
0xb2: {  	_ =	task.clear_ibuf [dreg:s7], $0x6FFFF;
	_ =	strace $0x90000046  }
0xb3: {  	s29 =	simm.s32 $0x9;
	_ =	strace $0x80000048  }
0xb4: {  	_ =	swait.ge [sflag:s29], $0x1  }
0xb5: {  	[sflag:s29] =	ssyncadd.s32 $0xFFFFFFFF  }
0xb6: {  	_ =	strace $0x90000048  }
0xb7: {  	_ =	sfence  }
0xb8: {  	s30 =	sld [smem:$0x0];
	_ =	sdelay $0x2  }
0xb9: {  	s31 =	sshll.u32 s1, $0xD;
	s1 =	sshrl.u32 s1, $0x2  }
0xba: {  	s3 =	sand.u32 $0x4000, s31;
	s1 =	sadd.s32 s1, s30  }
0xbb: {  	s0 =	sor.u32 s3, s0;
	s1 =	sshll.u32 s1, $0x11  }
0xbc: {  	s0 =	sor.u32 s1, s0  }
0xbd: {  	s0 =	sadd.s32 $0x8F2B, s0  }
0xbe: {  	[sflag:s0] =	ssyncadd.remote.s32 $0x1  }
0xbf: {  	_ =	sfence.sel $0xFFFF  }
0xc0: {  	[dreg:$0x0] =	wrdreg $0xFFFFFFFF;
	(pc) =	sbr.abs _section_cstart, $3  }
0xc1: {  	[dreg:$0x1] =	wrdreg $0xFFFFFFFF  }
0xc2: {  	_ =	task.clear_ibuf [dreg:s7], $0x2FFFF;
	_ =	strace $0x9FFFFFFF  }
0xc3: {  	(tm) =	ssettm $0x7FFFFFFF  }
tec
execute0_lowered:
.L_overlay_start_1:
0x0: {  	(tag) =	ssettag $0x1  }
0x1: {  	s5 =	rddreg [dreg:$0x0]  }
0x2: {  	s1 =	srdreg.scid;
	s2 =	rddreg [dreg:$0x1]  }
0x3: {  	s0 =	stileid.u32;
	s3 =	rddreg [dreg:$0x2];
	s4 =	simm.s32 $0x0  }
0x4: {  	s12 =	simm.s32 $0x64;
	s6 =	sand.u32 $0x1, s1;
	s1 =	rddreg [dreg:$0x3]  }
0x5: {  	s28 =	sshll.u32 s0, $0x1;
	[smem:$0x7FF] =	sst s4;
	s13 =	smul.u32 $0x2780, s0  }
0x6: {  	s9 =	smul.u32 $0x4F000, s0;
	s31 =	sshll.u32 s0, $0x6;
	s7 =	sor.u32 s6, s28  }
0x7: {  	_ =	strace $0x80000047;
	s8 =	smul.u32 $0x27800, s6;
	s6 =	ssub.s32 $0x2, s6  }
0x8: {  	s7 =	smul.u32 $0x680, s7;
	s10 =	sadd.s32 s13, s5;
	s29 =	sshrl.u32 s6, $0x1  }
0x9: {  	s30 =	sshrl.u32 s9, $0x2;
	s8 =	sadd.s32 s8, s5;
	s11 =	ssub.s32 s6, s29  }
0xa: {  	s9 =	sadd.s32 s30, s3;
	s6 =	sor.u32 $0x1C01, s31;
	s7 =	sadd.s32 s7, s5  }
0xb: {  	s5 =	sadd.s32 $0x11000, s10;
	s14 =	sadd.s32 $0x38800, s8;
	s8 =	smax.u32 s11, $0x1  }
0xc: {  	s9 =	sshrl.u32 s9, $0x3;
	s10 =	simm.s32 $0x1;
	s11 =	simm.s32 $0x3400  }
0xd: {  	s7 =	sadd.s32 $0x4000, s7;
	s13 =	sadd.s32 s13, s14;
	s14 =	simm.s32 $0x0  }
.LBB2_1:
0xe: {  	[spmem:s9], [sflag:s6] =	dma.local [hbm:s5], $0x2780  }
0xf: {  	_ =	swait.ge [sflag:s10], $0x2780  }
0x10: {  	[sflag:s10] =	ssyncset.done $0x0  }
0x11: {  	[sflag:s10] =	ssyncadd.s32 $0xFFFFD880  }
0x12: {  	[tilespmem:s11], [sflag:$0x1] =	stream.linear.gather [hbm4b:s2+s4], $0x3200, $0x38;
	[tilespmem:$0x1A400] =	vst v63  }
0x13: {  	_ =	swait.ge [sflag:s10], $0x3200  }
0x14: {  	[sflag:s10] =	ssyncset.done $0x0  }
0x15: {  	[sflag:s10] =	ssyncadd.s32 $0xFFFFCE00  }
0x16: {  	[tilespmem:s4], [sflag:$0x1] =	stream.linear.gather [hbm4b:s7+s4], $0x3200, $0x38;
	[tilespmem:$0x1A400] =	vst v63  }
0x17: {  	_ =	swait.ge [sflag:s10], $0x3200  }
0x18: {  	[sflag:s10] =	ssyncset.done $0x0  }
0x19: {  	[sflag:s10] =	ssyncadd.s32 $0xFFFFCE00  }
0x1a: {  	s15 =	simm.s32 $0x0;
	[bflag:$0x0] =	sbarrier.arrive $0xFFFF  }
0x1b: {  	[spmem:s3] =	stream.indirect.scatter.add.f32 [tilespmem:s11], [sflag:$0x1], $0x80, s15, s12, $0xb8;
	[tilespmem:$0x1A400] =	vst v63  }
0x1c: {  	_ =	swait.ge [sflag:s10], $0x3200  }
0x1d: {  	s15 =	simm.s32 $0x200;
	[sflag:s10] =	ssyncset.done $0x0  }
.LBB2_2:
0x1e: {  	s16 =	sshra.s32 s15, $0x2;
	[sflag:s10] =	ssyncadd.s32 $0xFFFFCE00;
	p0 =	sne.s32 s15, $0xC600  }
0x1f: {  	[spmem:s3] =	stream.indirect.scatter.add.f32 [tilespmem:s11], [sflag:$0x1], $0x80, s16, s12, $0xb8;
	[tilespmem:$0x1A400] =	vst v63  }
.Ltmp0:
0x20: {  	_ = 	snop;
	(pc) =	sbr.rel @p0 .LBB2_2-.Ltmp0, $4  }
0x21: {  	_ = 	snop  }
0x22: {  	s15 =	sadd.s32 $0x200, s15  }
0x23: {  	_ =	swait.ge [sflag:s10], $0x3200  }
0x24: {  	[sflag:s10] =	ssyncset.done $0x0  }
0x25: {  	s14 =	sadd.s32 $0x1, s14  }
0x26: {  	[sflag:s10] =	ssyncadd.s32 $0xFFFFCE00;
	p0 =	sne.s32 s14, s8  }
.Ltmp1:
0x27: {  	[bflag:$0x0] =	sbarrier.arrive $0xFFFF;
	(pc) =	sbr.rel @p0 .LBB2_1-.Ltmp1, $4  }
0x28: {  	[hbm:s13], [sflag:s6] =	dma.local [spmem:s9], $0x2780  }
0x29: {  	_ =	swait.ge [sflag:s10], $0x2780  }
0x2a: {  	[sflag:s10] =	ssyncset.done $0x0  }
0x2b: {  	[sflag:s10] =	ssyncadd.s32 $0xFFFFD880  }
0x2c: {  	_ =	sfence.sel $0x180000  }
0x2d: {  	[bflag:$0x0] =	sbarrier.arrive $0xFFFF  }
0x2e: {  	p0 =	sne.s32 s0, $0x0;
	_ =	strace $0x90000047  }
0x2f: {  	s0 =	sadd.s32 @!p0 $0x100000, s1;
	[bflag:$0x2] =	sbarrier.arrive $0xFFFF  }
0x30: {  	[sflag:s0] =	ssyncadd.tile.s32 @!p0 $0x1;
	_ =	shalt  }
.Lfunc_end2:
_tile_overlayer_lowered:
.L_overlay_start_2:
0x31: {  	(tag) =	ssettag $0x2  }
0x32: {  	s0 =	rddreg [dreg:$0x0];
	s2 =	stileid.u32  }
0x33: {  	s1 =	rddreg [dreg:$0x1];
	p0 =	sne.s32 s2, $0x0  }
0x34: {  	s3 =	rddreg [dreg:$0x2];
	[bflag:$0x3] =	sbarrier.arrive $0xFFFF;
	s2 =	simm.s32 @!p0 $0x1C01  }
0x35: {  	[timem:s3], [sflag:s2] =	dma.local @!p0 [hbm:s0], s1  }
0x36: {  	s0 =	simm.s32 @!p0 $0x1  }
0x37: {  	_ =	swait.ge @!p0 [sflag:s0], s1  }
0x38: {  	s1 =	ssub.s32 @!p0 $0x0, s1;
	[sflag:s0] =	ssyncset.done @!p0 $0x0  }
0x39: {  	[sflag:s0] =	ssyncadd.s32 @!p0 s1  }
0x3a: {  	[bflag:$0x3] =	sbarrier.arrive $0xFFFF  }
0x3b: {  	_ =	shalt  }

</sc_bundles>
